<compile_context>
chip_gen: v7x
topology: tpu7x:2x2x1
jax: 0.10.2.dev20260603
libtpu: 0.0.44.dev20260713+nightly
codegen_flags: <defaults>
</compile_context>

<pallas_src>
import jax
import jax.numpy as jnp
from jax import lax
from jax.experimental import pallas as pl
from jax.experimental.pallas import tpu as pltpu
from jax.experimental.pallas import tpu_sc as plsc

_NB = 100000
_C = 128
_S = 256
_R = 112
_ROWS_SC = 56000
_NCH = _ROWS_SC // _R
_NW = 32
_CHUNKS_BASE = _NCH // _NW
_CHUNKS_EXTRA = _NCH % _NW

_BK = 25000
_NBLK = _NB // _BK

_TBK = 4000
_NT = (_NB - _ROWS_SC) // _TBK
_OFF = _ROWS_SC // _TBK


def _sc_segment_sums(b_hbm, g_hbm, ib_hbm, ig_hbm, z_acc_hbm,
                     accb_out, accg_out,
                     bb0, bb1, gb0, gb1, ib0, ib1, ig0, ig1,
                     accb_sh, accg_sh, ld0, ld1, st0, st1):
    cid = lax.axis_index("c")
    sid = lax.axis_index("s")
    wid = cid * 16 + sid

    bufs = ((bb0, gb0, ib0, ig0, ld0, st0), (bb1, gb1, ib1, ig1, ld1, st1))

    def start_load(i, s):
        bb, gb, ibuf, igbuf, ld, _ = bufs[s]
        base = (wid + i * _NW) * _R
        pltpu.async_copy(b_hbm.at[pl.ds(base, _R)], bb, ld)
        pltpu.async_copy(ib_hbm.at[pl.ds(base, _R)], ibuf, ld)
        pltpu.async_copy(g_hbm.at[pl.ds(base, _R)], gb, ld)
        pltpu.async_copy(ig_hbm.at[pl.ds(base, _R)], igbuf, ld)

    def wait_load(s):
        bb, gb, ibuf, igbuf, ld, _ = bufs[s]
        pltpu.make_async_copy(b_hbm.at[pl.ds(0, _R)], bb, ld).wait()
        pltpu.make_async_copy(ib_hbm.at[pl.ds(0, _R)], ibuf, ld).wait()
        pltpu.make_async_copy(g_hbm.at[pl.ds(0, _R)], gb, ld).wait()
        pltpu.make_async_copy(ig_hbm.at[pl.ds(0, _R)], igbuf, ld).wait()

    def start_scatter(s):
        bb, gb, ibuf, igbuf, _, st = bufs[s]
        pltpu.async_copy(bb, accb_sh.at[ibuf], st, add=True)
        pltpu.async_copy(gb, accg_sh.at[igbuf], st, add=True)

    def wait_scatter(s):
        bb, gb, ibuf, igbuf, _, st = bufs[s]
        pltpu.make_async_copy(bb, accb_sh.at[ibuf], st).wait()
        pltpu.make_async_copy(gb, accg_sh.at[igbuf], st).wait()

    nch = jnp.where(wid < _CHUNKS_EXTRA, _CHUNKS_BASE + 1, _CHUNKS_BASE)

    start_load(0, 0)

    @pl.when(sid == 0)
    def _init():
        pltpu.sync_copy(z_acc_hbm, accb_sh)
        pltpu.sync_copy(z_acc_hbm, accg_sh)

    plsc.subcore_barrier()

    def outer(k, carry):
        for s in (0, 1):
            i = 2 * k + s

            @pl.when(i < nch)
            def _step():
                wait_load(s)
                start_scatter(s)

                @pl.when(i + 1 < nch)
                def _prefetch():
                    @pl.when(i >= 1)
                    def _drain():
                        wait_scatter(1 - s)

                    start_load(i + 1, 1 - s)

        return carry

    lax.fori_loop(0, (_CHUNKS_BASE + 2) // 2, outer, 0)
    wait_scatter(0)
    wait_scatter(1)
    plsc.subcore_barrier()

    @pl.when(sid == 0)
    def _flush():
        pltpu.sync_copy(accb_sh, accb_out.at[cid])
        pltpu.sync_copy(accg_sh, accg_out.at[cid])


def _hist16(ids_row):
    hi = lax.shift_right_logical(ids_row, 4)
    lo = ids_row & 15
    k = lax.broadcasted_iota(jnp.int32, (16, _BK), 0)
    oh_hi = (k == hi).astype(jnp.bfloat16)
    oh_lo = (k == lo).astype(jnp.bfloat16)
    return lax.dot_general(oh_hi, oh_lo, (((1,), (1,)), ((), ())),
                           preferred_element_type=jnp.float32)


def _expand_counts(c16):
    g = lax.broadcasted_iota(jnp.int32, (_S, 16), 0)
    k = lax.broadcasted_iota(jnp.int32, (_S, 16), 1)
    sel_hi = (g // 16 == k).astype(jnp.float32)
    sel_lo = (g % 16 == k).astype(jnp.float32)
    rows = jnp.dot(sel_hi, c16, preferred_element_type=jnp.float32)
    return jnp.sum(rows * sel_lo, axis=1, keepdims=True)


def _counts_kernel(idb_ref, idg_ref, cb_out, cg_out):
    cb16 = jnp.zeros((16, 16), jnp.float32)
    cg16 = jnp.zeros((16, 16), jnp.float32)
    for j in range(_NBLK):
        cb16 += _hist16(idb_ref[pl.ds(j * _BK, _BK)])
        cg16 += _hist16(idg_ref[pl.ds(j * _BK, _BK)])
    cb_out[:, :] = _expand_counts(cb16)
    cg_out[:, :] = _expand_counts(cg16)


def _tc_tail_segsum(idb_ref, idg_ref, bz_ref, gz_ref, tcb_out, tcg_out,
                    accb, accg):
    i = pl.program_id(0)

    @pl.when(i == 0)
    def _zero():
        accb[:, :] = jnp.zeros((_S, _C), jnp.float32)
        accg[:, :] = jnp.zeros((_S, _C), jnp.float32)

    g = lax.broadcasted_iota(jnp.int32, (_S, _TBK), 0)
    ohb = (g == idb_ref[0]).astype(jnp.float32)
    ohg = (g == idg_ref[0]).astype(jnp.float32)
    accb[:, :] += jnp.dot(ohb, bz_ref[:, :], preferred_element_type=jnp.float32)
    accg[:, :] += jnp.dot(ohg, gz_ref[:, :], preferred_element_type=jnp.float32)

    @pl.when(i == _NT - 1)
    def _final():
        tcb_out[:, :] = accb[:, :]
        tcg_out[:, :] = accg[:, :]


def _combine_kernel(accb_ref, accg_ref, tcb_ref, tcg_ref, cb_ref, cg_ref,
                    w_ref, bias_ref, out_ref):
    sb = accb_ref[0] + accb_ref[1] + tcb_ref[:, :]
    sg = accg_ref[0] + accg_ref[1] + tcg_ref[:, :]
    hb = sb / jnp.maximum(cb_ref[:, :], 1.0)
    hg = sg / jnp.maximum(cg_ref[:, :], 1.0)
    w1 = w_ref[0:_C, :]
    w2 = w_ref[_C:2 * _C, :]
    out_ref[:, :] = (
        jnp.dot(hb, w1, preferred_element_type=jnp.float32)
        + jnp.dot(hg, w2, preferred_element_type=jnp.float32)
        + bias_ref[0, 0]
    )


def kernel(B_z, G_z, x_b_batch, x_g_batch, W, b):
    ib = x_b_batch.astype(jnp.int32)
    ig = x_g_batch.astype(jnp.int32)
    z_acc = jnp.zeros((_S, _C), jnp.float32)

    mesh = plsc.VectorSubcoreMesh(core_axis_name="c", subcore_axis_name="s")
    sc = pl.kernel(
        _sc_segment_sums,
        out_type=(
            jax.ShapeDtypeStruct((2, _S, _C), jnp.float32),
            jax.ShapeDtypeStruct((2, _S, _C), jnp.float32),
        ),
        mesh=mesh,
        scratch_types=[
            pltpu.VMEM((_R, _C), jnp.float32),
            pltpu.VMEM((_R, _C), jnp.float32),
            pltpu.VMEM((_R, _C), jnp.float32),
            pltpu.VMEM((_R, _C), jnp.float32),
            pltpu.VMEM((_R,), jnp.int32),
            pltpu.VMEM((_R,), jnp.int32),
            pltpu.VMEM((_R,), jnp.int32),
            pltpu.VMEM((_R,), jnp.int32),
            pltpu.VMEM_SHARED((_S, _C), jnp.float32),
            pltpu.VMEM_SHARED((_S, _C), jnp.float32),
            pltpu.SemaphoreType.DMA,
            pltpu.SemaphoreType.DMA,
            pltpu.SemaphoreType.DMA,
            pltpu.SemaphoreType.DMA,
        ],
    )
    accb, accg = sc(B_z, G_z, ib, ig, z_acc)

    cb, cg = pl.pallas_call(
        _counts_kernel,
        grid=(1,),
        in_specs=[
            pl.BlockSpec((_NB,), lambda i: (0,)),
            pl.BlockSpec((_NB,), lambda i: (0,)),
        ],
        out_specs=[
            pl.BlockSpec((_S, 1), lambda i: (0, 0)),
            pl.BlockSpec((_S, 1), lambda i: (0, 0)),
        ],
        out_shape=[
            jax.ShapeDtypeStruct((_S, 1), jnp.float32),
            jax.ShapeDtypeStruct((_S, 1), jnp.float32),
        ],
    )(ib, ig)

    tcb, tcg = pl.pallas_call(
        _tc_tail_segsum,
        grid=(_NT,),
        in_specs=[
            pl.BlockSpec((1, 1, _TBK), lambda i: (i + _OFF, 0, 0)),
            pl.BlockSpec((1, 1, _TBK), lambda i: (i + _OFF, 0, 0)),
            pl.BlockSpec((_TBK, _C), lambda i: (i + _OFF, 0)),
            pl.BlockSpec((_TBK, _C), lambda i: (i + _OFF, 0)),
        ],
        out_specs=[
            pl.BlockSpec((_S, _C), lambda i: (0, 0)),
            pl.BlockSpec((_S, _C), lambda i: (0, 0)),
        ],
        out_shape=[
            jax.ShapeDtypeStruct((_S, _C), jnp.float32),
            jax.ShapeDtypeStruct((_S, _C), jnp.float32),
        ],
        scratch_shapes=[
            pltpu.VMEM((_S, _C), jnp.float32),
            pltpu.VMEM((_S, _C), jnp.float32),
        ],
    )(ib.reshape(_NB // _TBK, 1, _TBK), ig.reshape(_NB // _TBK, 1, _TBK),
      B_z, G_z)

    out = pl.pallas_call(
        _combine_kernel,
        out_shape=jax.ShapeDtypeStruct((_S, 1), jnp.float32),
    )(accb, accg, tcb, tcg, cb, cg, W, b.reshape(1, 1))
    return out

# --- scband reference (transcript-rebuilt; emitter-appended) ---
"""Pipeline reference for scband-graph-regressor-33749853012444 (READ-ONLY COPY).

The authoritative reference and input builder live on the scoring server;
editing this copy changes nothing except your own understanding.
"""

import jax, jax.numpy as jnp
import numpy as np

NB = 100000
NG = 100000
C = 128
NUM_GRAPHS = 256

def setup_inputs(seed: int = 0) -> dict:
    key = jax.random.key(seed)
    k1, k2, k3, k4, k5, k6 = jax.random.split(key, 6)
    B_z = jax.random.normal(k1, (NB, C), dtype=jnp.float32)
    G_z = jax.random.normal(k2, (NG, C), dtype=jnp.float32)
    x_b_batch = jnp.sort(jax.random.randint(k3, (NB,), 0, NUM_GRAPHS, dtype=jnp.int64))
    x_g_batch = jnp.sort(jax.random.randint(k4, (NG,), 0, NUM_GRAPHS, dtype=jnp.int64))
    # LazyLinear materializes to Linear(in_features=2*C, out_features=1)
    W = jax.random.normal(k5, (2 * C, 1), dtype=jnp.float32) / np.sqrt(2 * C)
    b = jax.random.normal(k6, (1,), dtype=jnp.float32) * 0.01
    return {"B_z": B_z, "G_z": G_z, "x_b_batch": x_b_batch, "x_g_batch": x_g_batch, "W": W, "b": b}

def _global_mean_pool(x, batch_ids, num_segments):
    s = jax.ops.segment_sum(x, batch_ids, num_segments=num_segments)
    cnt = jax.ops.segment_sum(jnp.ones((x.shape[0], 1), dtype=x.dtype), batch_ids, num_segments=num_segments)
    return s / jnp.maximum(cnt, 1.0)

def reference(B_z, G_z, x_b_batch, x_g_batch, W, b):
    h_b = _global_mean_pool(B_z, x_b_batch, NUM_GRAPHS)
    h_g = _global_mean_pool(G_z, x_g_batch, NUM_GRAPHS)
    x = jnp.concatenate([h_b, h_g], axis=1)
    affinity_pred = x @ W + b
    return affinity_pred

if __name__ == "__main__":
    import jax
    _d = setup_inputs()
    print(jax.jit(kernel)(*tuple(_d.values())))

</pallas_src>

<mosaic_0001>
#map = affine_map<(d0, d1) -> (0, 0)>
#map1 = affine_map<(d0, d1) -> (0)>
#map2 = affine_map<(d0, d1) -> (0, 0, 0)>
module attributes {stable_mosaic.version = 14 : i64} {
  func.func @_sc_segment_sums(%arg0: i32, %arg1: i32, %arg2: memref<100000x128xf32, #tpu.memory_space<hbm>>, %arg3: memref<100000x128xf32, #tpu.memory_space<hbm>>, %arg4: memref<100000xi32, #tpu.memory_space<hbm>>, %arg5: memref<100000xi32, #tpu.memory_space<hbm>>, %arg6: memref<256x128xf32, #tpu.memory_space<hbm>>, %arg7: memref<2x256x128xf32, #tpu.memory_space<hbm>>, %arg8: memref<2x256x128xf32, #tpu.memory_space<hbm>>, %arg9: memref<112x128xf32, #tpu.memory_space<vmem>>, %arg10: memref<112x128xf32, #tpu.memory_space<vmem>>, %arg11: memref<112x128xf32, #tpu.memory_space<vmem>>, %arg12: memref<112x128xf32, #tpu.memory_space<vmem>>, %arg13: memref<112xi32, #tpu.memory_space<vmem>>, %arg14: memref<112xi32, #tpu.memory_space<vmem>>, %arg15: memref<112xi32, #tpu.memory_space<vmem>>, %arg16: memref<112xi32, #tpu.memory_space<vmem>>, %arg17: memref<256x128xf32, #tpu.memory_space<vmem_shared>>, %arg18: memref<256x128xf32, #tpu.memory_space<vmem_shared>>, %arg19: memref<!tpu.dma_semaphore, #tpu.memory_space<semaphore_mem>>, %arg20: memref<!tpu.dma_semaphore, #tpu.memory_space<semaphore_mem>>, %arg21: memref<!tpu.dma_semaphore, #tpu.memory_space<semaphore_mem>>, %arg22: memref<!tpu.dma_semaphore, #tpu.memory_space<semaphore_mem>>) attributes {dimension_semantics = [#tpu.dimension_semantics<core_parallel>, #tpu.dimension_semantics<subcore_parallel>], iteration_bounds = array<i64: 2, 16>, scalar_prefetch = 0 : i64, scratch_operands = 14 : i64, tpu.core_type = #tpu.core_type<sc_vector_subcore>, window_params = [{transform_indices = #map}, {transform_indices = #map}, {transform_indices = #map1}, {transform_indices = #map1}, {transform_indices = #map}, {transform_indices = #map2}, {transform_indices = #map2}]} {
    %mul3A = arith.constant 16 : i32
    %mul3A_0 = arith.muli %arg0, %mul3A : i32
    %add3A = arith.addi %mul3A_0, %arg1 : i32
    %lt3A = arith.constant 20 : i32
    %lt3A_1 = arith.cmpi slt, %add3A, %lt3A : i32
    %jit3A = arith.constant 16 : i32
    %jit3A_2 = arith.constant 15 : i32
    %select_n3A = arith.select %lt3A_1, %jit3A, %jit3A_2 : i32
    %add3A_3 = arith.constant 0 : i32
    %add3A_4 = arith.addi %add3A, %add3A_3 : i32
    %mul3A_5 = arith.constant 112 : i32
    %mul3A_6 = arith.muli %add3A_4, %mul3A_5 : i32
    %dma_start3A = arith.constant 0 : i32
    %dma_start3A_7 = tpu.memref_slice %arg2[%mul3A_6, %dma_start3A] : memref<100000x128xf32, #tpu.memory_space<hbm>> -> memref<112x128xf32, #tpu.memory_space<hbm>>
    %dma_start3A_8 = arith.constant 0 : i32
    %dma_start3A_9 = tpu.memref_slice %arg2[%mul3A_6, %dma_start3A_8] : memref<100000x128xf32, #tpu.memory_space<hbm>> -> memref<112x128xf32, #tpu.memory_space<hbm>>
    tpu.enqueue_dma source(%dma_start3A_9 : memref<112x128xf32, #tpu.memory_space<hbm>>) target(%arg9 : memref<112x128xf32, #tpu.memory_space<vmem>>) target_semaphore(%arg19 : memref<!tpu.dma_semaphore, #tpu.memory_space<semaphore_mem>>)
    %dma_start3A_10 = tpu.memref_slice %arg4[%mul3A_6] : memref<100000xi32, #tpu.memory_space<hbm>> -> memref<112xi32, #tpu.memory_space<hbm>>
    %dma_start3A_11 = tpu.memref_slice %arg4[%mul3A_6] : memref<100000xi32, #tpu.memory_space<hbm>> -> memref<112xi32, #tpu.memory_space<hbm>>
    tpu.enqueue_dma source(%dma_start3A_11 : memref<112xi32, #tpu.memory_space<hbm>>) target(%arg13 : memref<112xi32, #tpu.memory_space<vmem>>) target_semaphore(%arg19 : memref<!tpu.dma_semaphore, #tpu.memory_space<semaphore_mem>>)
    %dma_start3A_12 = arith.constant 0 : i32
    %dma_start3A_13 = tpu.memref_slice %arg3[%mul3A_6, %dma_start3A_12] : memref<100000x128xf32, #tpu.memory_space<hbm>> -> memref<112x128xf32, #tpu.memory_space<hbm>>
    %dma_start3A_14 = arith.constant 0 : i32
    %dma_start3A_15 = tpu.memref_slice %arg3[%mul3A_6, %dma_start3A_14] : memref<100000x128xf32, #tpu.memory_space<hbm>> -> memref<112x128xf32, #tpu.memory_space<hbm>>
    tpu.enqueue_dma source(%dma_start3A_15 : memref<112x128xf32, #tpu.memory_space<hbm>>) target(%arg11 : memref<112x128xf32, #tpu.memory_space<vmem>>) target_semaphore(%arg19 : memref<!tpu.dma_semaphore, #tpu.memory_space<semaphore_mem>>)
    %dma_start3A_16 = tpu.memref_slice %arg5[%mul3A_6] : memref<100000xi32, #tpu.memory_space<hbm>> -> memref<112xi32, #tpu.memory_space<hbm>>
    %dma_start3A_17 = tpu.memref_slice %arg5[%mul3A_6] : memref<100000xi32, #tpu.memory_space<hbm>> -> memref<112xi32, #tpu.memory_space<hbm>>
    tpu.enqueue_dma source(%dma_start3A_17 : memref<112xi32, #tpu.memory_space<hbm>>) target(%arg15 : memref<112xi32, #tpu.memory_space<vmem>>) target_semaphore(%arg19 : memref<!tpu.dma_semaphore, #tpu.memory_space<semaphore_mem>>)
    %eq3A = arith.constant 0 : i32
    %eq3A_18 = arith.cmpi eq, %arg1, %eq3A : i32
    %convert_element_type3A = arith.extui %eq3A_18 : i1 to i32
    %cond3A = arith.constant 0 : i32
    %cond3A_19 = arith.cmpi ne, %convert_element_type3A, %cond3A : i32
    scf.if %cond3A_19 {
      "tpu.region"() ({
        %run_scoped3A = tpu.sem_alloc : memref<!tpu.dma_semaphore, #tpu.memory_space<semaphore_mem>>
        tpu.enqueue_dma source(%arg6 : memref<256x128xf32, #tpu.memory_space<hbm>>) target(%arg17 : memref<256x128xf32, #tpu.memory_space<vmem_shared>>) target_semaphore(%run_scoped3A : memref<!tpu.dma_semaphore, #tpu.memory_space<semaphore_mem>>)
        tpu.wait_dma2 semaphore(%run_scoped3A : memref<!tpu.dma_semaphore, #tpu.memory_space<semaphore_mem>>) src(%arg6 : memref<256x128xf32, #tpu.memory_space<hbm>>) dst(%arg17 : memref<256x128xf32, #tpu.memory_space<vmem_shared>>)
        tpu.yield
      }) : () -> ()
      "tpu.region"() ({
        %run_scoped3A = tpu.sem_alloc : memref<!tpu.dma_semaphore, #tpu.memory_space<semaphore_mem>>
        tpu.enqueue_dma source(%arg6 : memref<256x128xf32, #tpu.memory_space<hbm>>) target(%arg18 : memref<256x128xf32, #tpu.memory_space<vmem_shared>>) target_semaphore(%run_scoped3A : memref<!tpu.dma_semaphore, #tpu.memory_space<semaphore_mem>>)
        tpu.wait_dma2 semaphore(%run_scoped3A : memref<!tpu.dma_semaphore, #tpu.memory_space<semaphore_mem>>) src(%arg6 : memref<256x128xf32, #tpu.memory_space<hbm>>) dst(%arg18 : memref<256x128xf32, #tpu.memory_space<vmem_shared>>)
        tpu.yield
      }) : () -> ()
    } else {
    }
    %barrier3A = arith.constant 0 : index
    tpu.barrier barrier_id(%barrier3A)
    %scan3A = arith.constant 0 : i32
    %scan3A_20 = arith.constant 0 : i32
    %scan3A_21 = arith.constant 8 : i32
    %scan3A_22 = arith.addi %scan3A_20, %scan3A_21 : i32
    %scan3A_23 = arith.constant 1 : i32
    scf.for %scan3A_42 = %scan3A_20 to %scan3A_22 step %scan3A_23  : i32 {
      %mul3A_43 = arith.constant 2 : i32
      %mul3A_44 = arith.muli %mul3A_43, %scan3A_42 : i32
      %add3A_45 = arith.constant 0 : i32
      %add3A_46 = arith.addi %mul3A_44, %add3A_45 : i32
      %lt3A_47 = arith.cmpi slt, %add3A_46, %select_n3A : i32
      %convert_element_type3A_48 = arith.extui %lt3A_47 : i1 to i32
      %cond3A_49 = arith.constant 0 : i32
      %cond3A_50 = arith.cmpi ne, %convert_element_type3A_48, %cond3A_49 : i32
      scf.if %cond3A_50 {
        %dma_wait3A_59 = arith.constant 0 : i32
        %dma_wait3A_60 = arith.constant 0 : i32
        %dma_wait3A_61 = tpu.memref_slice %arg2[%dma_wait3A_59, %dma_wait3A_60] : memref<100000x128xf32, #tpu.memory_space<hbm>> -> memref<112x128xf32, #tpu.memory_space<hbm>>
        %dma_wait3A_62 = arith.constant 0 : i32
        %dma_wait3A_63 = arith.constant 0 : i32
        %dma_wait3A_64 = tpu.memref_slice %arg2[%dma_wait3A_62, %dma_wait3A_63] : memref<100000x128xf32, #tpu.memory_space<hbm>> -> memref<112x128xf32, #tpu.memory_space<hbm>>
        tpu.wait_dma2 semaphore(%arg19 : memref<!tpu.dma_semaphore, #tpu.memory_space<semaphore_mem>>) src(%dma_wait3A_64 : memref<112x128xf32, #tpu.memory_space<hbm>>) dst(%arg9 : memref<112x128xf32, #tpu.memory_space<vmem>>)
        %dma_wait3A_65 = arith.constant 0 : i32
        %dma_wait3A_66 = tpu.memref_slice %arg4[%dma_wait3A_65] : memref<100000xi32, #tpu.memory_space<hbm>> -> memref<112xi32, #tpu.memory_space<hbm>>
        %dma_wait3A_67 = arith.constant 0 : i32
        %dma_wait3A_68 = tpu.memref_slice %arg4[%dma_wait3A_67] : memref<100000xi32, #tpu.memory_space<hbm>> -> memref<112xi32, #tpu.memory_space<hbm>>
        tpu.wait_dma2 semaphore(%arg19 : memref<!tpu.dma_semaphore, #tpu.memory_space<semaphore_mem>>) src(%dma_wait3A_68 : memref<112xi32, #tpu.memory_space<hbm>>) dst(%arg13 : memref<112xi32, #tpu.memory_space<vmem>>)
        %dma_wait3A_69 = arith.constant 0 : i32
        %dma_wait3A_70 = arith.constant 0 : i32
        %dma_wait3A_71 = tpu.memref_slice %arg3[%dma_wait3A_69, %dma_wait3A_70] : memref<100000x128xf32, #tpu.memory_space<hbm>> -> memref<112x128xf32, #tpu.memory_space<hbm>>
        %dma_wait3A_72 = arith.constant 0 : i32
        %dma_wait3A_73 = arith.constant 0 : i32
        %dma_wait3A_74 = tpu.memref_slice %arg3[%dma_wait3A_72, %dma_wait3A_73] : memref<100000x128xf32, #tpu.memory_space<hbm>> -> memref<112x128xf32, #tpu.memory_space<hbm>>
        tpu.wait_dma2 semaphore(%arg19 : memref<!tpu.dma_semaphore, #tpu.memory_space<semaphore_mem>>) src(%dma_wait3A_74 : memref<112x128xf32, #tpu.memory_space<hbm>>) dst(%arg11 : memref<112x128xf32, #tpu.memory_space<vmem>>)
        %dma_wait3A_75 = arith.constant 0 : i32
        %dma_wait3A_76 = tpu.memref_slice %arg5[%dma_wait3A_75] : memref<100000xi32, #tpu.memory_space<hbm>> -> memref<112xi32, #tpu.memory_space<hbm>>
        %dma_wait3A_77 = arith.constant 0 : i32
        %dma_wait3A_78 = tpu.memref_slice %arg5[%dma_wait3A_77] : memref<100000xi32, #tpu.memory_space<hbm>> -> memref<112xi32, #tpu.memory_space<hbm>>
        tpu.wait_dma2 semaphore(%arg19 : memref<!tpu.dma_semaphore, #tpu.memory_space<semaphore_mem>>) src(%dma_wait3A_78 : memref<112xi32, #tpu.memory_space<hbm>>) dst(%arg15 : memref<112xi32, #tpu.memory_space<vmem>>)
        %dma_start3A_79 = arith.constant 0 : i32
        %dma_start3A_80 = arith.constant 0 : i32
        %dma_start3A_81 = tpu.memref_slice %arg17[%dma_start3A_79, %dma_start3A_80] : memref<256x128xf32, #tpu.memory_space<vmem_shared>> -> memref<256x128xf32, #tpu.memory_space<vmem_shared>>
        tpu.enqueue_indirect_dma source(%arg9 : memref<112x128xf32, #tpu.memory_space<vmem>>) target(%dma_start3A_81 : memref<256x128xf32, #tpu.memory_space<vmem_shared>>) offsets(%arg13 : memref<112xi32, #tpu.memory_space<vmem>>) semaphore(%arg21 : memref<!tpu.dma_semaphore, #tpu.memory_space<semaphore_mem>>) {add = true}
        %dma_start3A_82 = arith.constant 0 : i32
        %dma_start3A_83 = arith.constant 0 : i32
        %dma_start3A_84 = tpu.memref_slice %arg18[%dma_start3A_82, %dma_start3A_83] : memref<256x128xf32, #tpu.memory_space<vmem_shared>> -> memref<256x128xf32, #tpu.memory_space<vmem_shared>>
        tpu.enqueue_indirect_dma source(%arg11 : memref<112x128xf32, #tpu.memory_space<vmem>>) target(%dma_start3A_84 : memref<256x128xf32, #tpu.memory_space<vmem_shared>>) offsets(%arg15 : memref<112xi32, #tpu.memory_space<vmem>>) semaphore(%arg21 : memref<!tpu.dma_semaphore, #tpu.memory_space<semaphore_mem>>) {add = true}
        %add3A_85 = arith.constant 1 : i32
        %add3A_86 = arith.addi %add3A_46, %add3A_85 : i32
        %lt3A_87 = arith.cmpi slt, %add3A_86, %select_n3A : i32
        %convert_element_type3A_88 = arith.extui %lt3A_87 : i1 to i32
        %cond3A_89 = arith.constant 0 : i32
        %cond3A_90 = arith.cmpi ne, %convert_element_type3A_88, %cond3A_89 : i32
        scf.if %cond3A_90 {
          %ge3A = arith.constant 1 : i32
          %ge3A_91 = arith.cmpi sge, %add3A_46, %ge3A : i32
          %convert_element_type3A_92 = arith.extui %ge3A_91 : i1 to i32
          %cond3A_93 = arith.constant 0 : i32
          %cond3A_94 = arith.cmpi ne, %convert_element_type3A_92, %cond3A_93 : i32
          scf.if %cond3A_94 {
            %dma_wait3A_114 = arith.constant 0 : i32
            %dma_wait3A_115 = arith.constant 0 : i32
            %dma_wait3A_116 = tpu.memref_slice %arg17[%dma_wait3A_114, %dma_wait3A_115] : memref<256x128xf32, #tpu.memory_space<vmem_shared>> -> memref<256x128xf32, #tpu.memory_space<vmem_shared>>
            tpu.wait_indirect_dma semaphore(%arg22 : memref<!tpu.dma_semaphore, #tpu.memory_space<semaphore_mem>>) src(%arg10 : memref<112x128xf32, #tpu.memory_space<vmem>>) dst(%dma_wait3A_116 : memref<256x128xf32, #tpu.memory_space<vmem_shared>>)
            %dma_wait3A_117 = arith.constant 0 : i32
            %dma_wait3A_118 = arith.constant 0 : i32
            %dma_wait3A_119 = tpu.memref_slice %arg18[%dma_wait3A_117, %dma_wait3A_118] : memref<256x128xf32, #tpu.memory_space<vmem_shared>> -> memref<256x128xf32, #tpu.memory_space<vmem_shared>>
            tpu.wait_indirect_dma semaphore(%arg22 : memref<!tpu.dma_semaphore, #tpu.memory_space<semaphore_mem>>) src(%arg12 : memref<112x128xf32, #tpu.memory_space<vmem>>) dst(%dma_wait3A_119 : memref<256x128xf32, #tpu.memory_space<vmem_shared>>)
          } else {
          }
          %add3A_95 = arith.constant 1 : i32
          %add3A_96 = arith.addi %add3A_46, %add3A_95 : i32
          %mul3A_97 = arith.constant 32 : i32
          %mul3A_98 = arith.muli %add3A_96, %mul3A_97 : i32
          %add3A_99 = arith.addi %add3A, %mul3A_98 : i32
          %mul3A_100 = arith.constant 112 : i32
          %mul3A_101 = arith.muli %add3A_99, %mul3A_100 : i32
          %dma_start3A_102 = arith.constant 0 : i32
          %dma_start3A_103 = tpu.memref_slice %arg2[%mul3A_101, %dma_start3A_102] : memref<100000x128xf32, #tpu.memory_space<hbm>> -> memref<112x128xf32, #tpu.memory_space<hbm>>
          %dma_start3A_104 = arith.constant 0 : i32
          %dma_start3A_105 = tpu.memref_slice %arg2[%mul3A_101, %dma_start3A_104] : memref<100000x128xf32, #tpu.memory_space<hbm>> -> memref<112x128xf32, #tpu.memory_space<hbm>>
          tpu.enqueue_dma source(%dma_start3A_105 : memref<112x128xf32, #tpu.memory_space<hbm>>) target(%arg10 : memref<112x128xf32, #tpu.memory_space<vmem>>) target_semaphore(%arg20 : memref<!tpu.dma_semaphore, #tpu.memory_space<semaphore_mem>>)
          %dma_start3A_106 = tpu.memref_slice %arg4[%mul3A_101] : memref<100000xi32, #tpu.memory_space<hbm>> -> memref<112xi32, #tpu.memory_space<hbm>>
          %dma_start3A_107 = tpu.memref_slice %arg4[%mul3A_101] : memref<100000xi32, #tpu.memory_space<hbm>> -> memref<112xi32, #tpu.memory_space<hbm>>
          tpu.enqueue_dma source(%dma_start3A_107 : memref<112xi32, #tpu.memory_space<hbm>>) target(%arg14 : memref<112xi32, #tpu.memory_space<vmem>>) target_semaphore(%arg20 : memref<!tpu.dma_semaphore, #tpu.memory_space<semaphore_mem>>)
          %dma_start3A_108 = arith.constant 0 : i32
          %dma_start3A_109 = tpu.memref_slice %arg3[%mul3A_101, %dma_start3A_108] : memref<100000x128xf32, #tpu.memory_space<hbm>> -> memref<112x128xf32, #tpu.memory_space<hbm>>
          %dma_start3A_110 = arith.constant 0 : i32
          %dma_start3A_111 = tpu.memref_slice %arg3[%mul3A_101, %dma_start3A_110] : memref<100000x128xf32, #tpu.memory_space<hbm>> -> memref<112x128xf32, #tpu.memory_space<hbm>>
          tpu.enqueue_dma source(%dma_start3A_111 : memref<112x128xf32, #tpu.memory_space<hbm>>) target(%arg12 : memref<112x128xf32, #tpu.memory_space<vmem>>) target_semaphore(%arg20 : memref<!tpu.dma_semaphore, #tpu.memory_space<semaphore_mem>>)
          %dma_start3A_112 = tpu.memref_slice %arg5[%mul3A_101] : memref<100000xi32, #tpu.memory_space<hbm>> -> memref<112xi32, #tpu.memory_space<hbm>>
          %dma_start3A_113 = tpu.memref_slice %arg5[%mul3A_101] : memref<100000xi32, #tpu.memory_space<hbm>> -> memref<112xi32, #tpu.memory_space<hbm>>
          tpu.enqueue_dma source(%dma_start3A_113 : memref<112xi32, #tpu.memory_space<hbm>>) target(%arg16 : memref<112xi32, #tpu.memory_space<vmem>>) target_semaphore(%arg20 : memref<!tpu.dma_semaphore, #tpu.memory_space<semaphore_mem>>)
        } else {
        }
      } else {
      }
      %mul3A_51 = arith.constant 2 : i32
      %mul3A_52 = arith.muli %mul3A_51, %scan3A_42 : i32
      %add3A_53 = arith.constant 1 : i32
      %add3A_54 = arith.addi %mul3A_52, %add3A_53 : i32
      %lt3A_55 = arith.cmpi slt, %add3A_54, %select_n3A : i32
      %convert_element_type3A_56 = arith.extui %lt3A_55 : i1 to i32
      %cond3A_57 = arith.constant 0 : i32
      %cond3A_58 = arith.cmpi ne, %convert_element_type3A_56, %cond3A_57 : i32
      scf.if %cond3A_58 {
        %dma_wait3A_59 = arith.constant 0 : i32
        %dma_wait3A_60 = arith.constant 0 : i32
        %dma_wait3A_61 = tpu.memref_slice %arg2[%dma_wait3A_59, %dma_wait3A_60] : memref<100000x128xf32, #tpu.memory_space<hbm>> -> memref<112x128xf32, #tpu.memory_space<hbm>>
        %dma_wait3A_62 = arith.constant 0 : i32
        %dma_wait3A_63 = arith.constant 0 : i32
        %dma_wait3A_64 = tpu.memref_slice %arg2[%dma_wait3A_62, %dma_wait3A_63] : memref<100000x128xf32, #tpu.memory_space<hbm>> -> memref<112x128xf32, #tpu.memory_space<hbm>>
        tpu.wait_dma2 semaphore(%arg20 : memref<!tpu.dma_semaphore, #tpu.memory_space<semaphore_mem>>) src(%dma_wait3A_64 : memref<112x128xf32, #tpu.memory_space<hbm>>) dst(%arg10 : memref<112x128xf32, #tpu.memory_space<vmem>>)
        %dma_wait3A_65 = arith.constant 0 : i32
        %dma_wait3A_66 = tpu.memref_slice %arg4[%dma_wait3A_65] : memref<100000xi32, #tpu.memory_space<hbm>> -> memref<112xi32, #tpu.memory_space<hbm>>
        %dma_wait3A_67 = arith.constant 0 : i32
        %dma_wait3A_68 = tpu.memref_slice %arg4[%dma_wait3A_67] : memref<100000xi32, #tpu.memory_space<hbm>> -> memref<112xi32, #tpu.memory_space<hbm>>
        tpu.wait_dma2 semaphore(%arg20 : memref<!tpu.dma_semaphore, #tpu.memory_space<semaphore_mem>>) src(%dma_wait3A_68 : memref<112xi32, #tpu.memory_space<hbm>>) dst(%arg14 : memref<112xi32, #tpu.memory_space<vmem>>)
        %dma_wait3A_69 = arith.constant 0 : i32
        %dma_wait3A_70 = arith.constant 0 : i32
        %dma_wait3A_71 = tpu.memref_slice %arg3[%dma_wait3A_69, %dma_wait3A_70] : memref<100000x128xf32, #tpu.memory_space<hbm>> -> memref<112x128xf32, #tpu.memory_space<hbm>>
        %dma_wait3A_72 = arith.constant 0 : i32
        %dma_wait3A_73 = arith.constant 0 : i32
        %dma_wait3A_74 = tpu.memref_slice %arg3[%dma_wait3A_72, %dma_wait3A_73] : memref<100000x128xf32, #tpu.memory_space<hbm>> -> memref<112x128xf32, #tpu.memory_space<hbm>>
        tpu.wait_dma2 semaphore(%arg20 : memref<!tpu.dma_semaphore, #tpu.memory_space<semaphore_mem>>) src(%dma_wait3A_74 : memref<112x128xf32, #tpu.memory_space<hbm>>) dst(%arg12 : memref<112x128xf32, #tpu.memory_space<vmem>>)
        %dma_wait3A_75 = arith.constant 0 : i32
        %dma_wait3A_76 = tpu.memref_slice %arg5[%dma_wait3A_75] : memref<100000xi32, #tpu.memory_space<hbm>> -> memref<112xi32, #tpu.memory_space<hbm>>
        %dma_wait3A_77 = arith.constant 0 : i32
        %dma_wait3A_78 = tpu.memref_slice %arg5[%dma_wait3A_77] : memref<100000xi32, #tpu.memory_space<hbm>> -> memref<112xi32, #tpu.memory_space<hbm>>
        tpu.wait_dma2 semaphore(%arg20 : memref<!tpu.dma_semaphore, #tpu.memory_space<semaphore_mem>>) src(%dma_wait3A_78 : memref<112xi32, #tpu.memory_space<hbm>>) dst(%arg16 : memref<112xi32, #tpu.memory_space<vmem>>)
        %dma_start3A_79 = arith.constant 0 : i32
        %dma_start3A_80 = arith.constant 0 : i32
        %dma_start3A_81 = tpu.memref_slice %arg17[%dma_start3A_79, %dma_start3A_80] : memref<256x128xf32, #tpu.memory_space<vmem_shared>> -> memref<256x128xf32, #tpu.memory_space<vmem_shared>>
        tpu.enqueue_indirect_dma source(%arg10 : memref<112x128xf32, #tpu.memory_space<vmem>>) target(%dma_start3A_81 : memref<256x128xf32, #tpu.memory_space<vmem_shared>>) offsets(%arg14 : memref<112xi32, #tpu.memory_space<vmem>>) semaphore(%arg22 : memref<!tpu.dma_semaphore, #tpu.memory_space<semaphore_mem>>) {add = true}
        %dma_start3A_82 = arith.constant 0 : i32
        %dma_start3A_83 = arith.constant 0 : i32
        %dma_start3A_84 = tpu.memref_slice %arg18[%dma_start3A_82, %dma_start3A_83] : memref<256x128xf32, #tpu.memory_space<vmem_shared>> -> memref<256x128xf32, #tpu.memory_space<vmem_shared>>
        tpu.enqueue_indirect_dma source(%arg12 : memref<112x128xf32, #tpu.memory_space<vmem>>) target(%dma_start3A_84 : memref<256x128xf32, #tpu.memory_space<vmem_shared>>) offsets(%arg16 : memref<112xi32, #tpu.memory_space<vmem>>) semaphore(%arg22 : memref<!tpu.dma_semaphore, #tpu.memory_space<semaphore_mem>>) {add = true}
        %add3A_85 = arith.constant 1 : i32
        %add3A_86 = arith.addi %add3A_54, %add3A_85 : i32
        %lt3A_87 = arith.cmpi slt, %add3A_86, %select_n3A : i32
        %convert_element_type3A_88 = arith.extui %lt3A_87 : i1 to i32
        %cond3A_89 = arith.constant 0 : i32
        %cond3A_90 = arith.cmpi ne, %convert_element_type3A_88, %cond3A_89 : i32
        scf.if %cond3A_90 {
          %ge3A = arith.constant 1 : i32
          %ge3A_91 = arith.cmpi sge, %add3A_54, %ge3A : i32
          %convert_element_type3A_92 = arith.extui %ge3A_91 : i1 to i32
          %cond3A_93 = arith.constant 0 : i32
          %cond3A_94 = arith.cmpi ne, %convert_element_type3A_92, %cond3A_93 : i32
          scf.if %cond3A_94 {
            %dma_wait3A_114 = arith.constant 0 : i32
            %dma_wait3A_115 = arith.constant 0 : i32
            %dma_wait3A_116 = tpu.memref_slice %arg17[%dma_wait3A_114, %dma_wait3A_115] : memref<256x128xf32, #tpu.memory_space<vmem_shared>> -> memref<256x128xf32, #tpu.memory_space<vmem_shared>>
            tpu.wait_indirect_dma semaphore(%arg21 : memref<!tpu.dma_semaphore, #tpu.memory_space<semaphore_mem>>) src(%arg9 : memref<112x128xf32, #tpu.memory_space<vmem>>) dst(%dma_wait3A_116 : memref<256x128xf32, #tpu.memory_space<vmem_shared>>)
            %dma_wait3A_117 = arith.constant 0 : i32
            %dma_wait3A_118 = arith.constant 0 : i32
            %dma_wait3A_119 = tpu.memref_slice %arg18[%dma_wait3A_117, %dma_wait3A_118] : memref<256x128xf32, #tpu.memory_space<vmem_shared>> -> memref<256x128xf32, #tpu.memory_space<vmem_shared>>
            tpu.wait_indirect_dma semaphore(%arg21 : memref<!tpu.dma_semaphore, #tpu.memory_space<semaphore_mem>>) src(%arg11 : memref<112x128xf32, #tpu.memory_space<vmem>>) dst(%dma_wait3A_119 : memref<256x128xf32, #tpu.memory_space<vmem_shared>>)
          } else {
          }
          %add3A_95 = arith.constant 1 : i32
          %add3A_96 = arith.addi %add3A_54, %add3A_95 : i32
          %mul3A_97 = arith.constant 32 : i32
          %mul3A_98 = arith.muli %add3A_96, %mul3A_97 : i32
          %add3A_99 = arith.addi %add3A, %mul3A_98 : i32
          %mul3A_100 = arith.constant 112 : i32
          %mul3A_101 = arith.muli %add3A_99, %mul3A_100 : i32
          %dma_start3A_102 = arith.constant 0 : i32
          %dma_start3A_103 = tpu.memref_slice %arg2[%mul3A_101, %dma_start3A_102] : memref<100000x128xf32, #tpu.memory_space<hbm>> -> memref<112x128xf32, #tpu.memory_space<hbm>>
          %dma_start3A_104 = arith.constant 0 : i32
          %dma_start3A_105 = tpu.memref_slice %arg2[%mul3A_101, %dma_start3A_104] : memref<100000x128xf32, #tpu.memory_space<hbm>> -> memref<112x128xf32, #tpu.memory_space<hbm>>
          tpu.enqueue_dma source(%dma_start3A_105 : memref<112x128xf32, #tpu.memory_space<hbm>>) target(%arg9 : memref<112x128xf32, #tpu.memory_space<vmem>>) target_semaphore(%arg19 : memref<!tpu.dma_semaphore, #tpu.memory_space<semaphore_mem>>)
          %dma_start3A_106 = tpu.memref_slice %arg4[%mul3A_101] : memref<100000xi32, #tpu.memory_space<hbm>> -> memref<112xi32, #tpu.memory_space<hbm>>
          %dma_start3A_107 = tpu.memref_slice %arg4[%mul3A_101] : memref<100000xi32, #tpu.memory_space<hbm>> -> memref<112xi32, #tpu.memory_space<hbm>>
          tpu.enqueue_dma source(%dma_start3A_107 : memref<112xi32, #tpu.memory_space<hbm>>) target(%arg13 : memref<112xi32, #tpu.memory_space<vmem>>) target_semaphore(%arg19 : memref<!tpu.dma_semaphore, #tpu.memory_space<semaphore_mem>>)
          %dma_start3A_108 = arith.constant 0 : i32
          %dma_start3A_109 = tpu.memref_slice %arg3[%mul3A_101, %dma_start3A_108] : memref<100000x128xf32, #tpu.memory_space<hbm>> -> memref<112x128xf32, #tpu.memory_space<hbm>>
          %dma_start3A_110 = arith.constant 0 : i32
          %dma_start3A_111 = tpu.memref_slice %arg3[%mul3A_101, %dma_start3A_110] : memref<100000x128xf32, #tpu.memory_space<hbm>> -> memref<112x128xf32, #tpu.memory_space<hbm>>
          tpu.enqueue_dma source(%dma_start3A_111 : memref<112x128xf32, #tpu.memory_space<hbm>>) target(%arg11 : memref<112x128xf32, #tpu.memory_space<vmem>>) target_semaphore(%arg19 : memref<!tpu.dma_semaphore, #tpu.memory_space<semaphore_mem>>)
          %dma_start3A_112 = tpu.memref_slice %arg5[%mul3A_101] : memref<100000xi32, #tpu.memory_space<hbm>> -> memref<112xi32, #tpu.memory_space<hbm>>
          %dma_start3A_113 = tpu.memref_slice %arg5[%mul3A_101] : memref<100000xi32, #tpu.memory_space<hbm>> -> memref<112xi32, #tpu.memory_space<hbm>>
          tpu.enqueue_dma source(%dma_start3A_113 : memref<112xi32, #tpu.memory_space<hbm>>) target(%arg15 : memref<112xi32, #tpu.memory_space<vmem>>) target_semaphore(%arg19 : memref<!tpu.dma_semaphore, #tpu.memory_space<semaphore_mem>>)
        } else {
        }
      } else {
      }
    }
    %scan3A_24 = arith.constant 8 : i32
    %dma_wait3A = arith.constant 0 : i32
    %dma_wait3A_25 = arith.constant 0 : i32
    %dma_wait3A_26 = tpu.memref_slice %arg17[%dma_wait3A, %dma_wait3A_25] : memref<256x128xf32, #tpu.memory_space<vmem_shared>> -> memref<256x128xf32, #tpu.memory_space<vmem_shared>>
    tpu.wait_indirect_dma semaphore(%arg21 : memref<!tpu.dma_semaphore, #tpu.memory_space<semaphore_mem>>) src(%arg9 : memref<112x128xf32, #tpu.memory_space<vmem>>) dst(%dma_wait3A_26 : memref<256x128xf32, #tpu.memory_space<vmem_shared>>)
    %dma_wait3A_27 = arith.constant 0 : i32
    %dma_wait3A_28 = arith.constant 0 : i32
    %dma_wait3A_29 = tpu.memref_slice %arg18[%dma_wait3A_27, %dma_wait3A_28] : memref<256x128xf32, #tpu.memory_space<vmem_shared>> -> memref<256x128xf32, #tpu.memory_space<vmem_shared>>
    tpu.wait_indirect_dma semaphore(%arg21 : memref<!tpu.dma_semaphore, #tpu.memory_space<semaphore_mem>>) src(%arg11 : memref<112x128xf32, #tpu.memory_space<vmem>>) dst(%dma_wait3A_29 : memref<256x128xf32, #tpu.memory_space<vmem_shared>>)
    %dma_wait3A_30 = arith.constant 0 : i32
    %dma_wait3A_31 = arith.constant 0 : i32
    %dma_wait3A_32 = tpu.memref_slice %arg17[%dma_wait3A_30, %dma_wait3A_31] : memref<256x128xf32, #tpu.memory_space<vmem_shared>> -> memref<256x128xf32, #tpu.memory_space<vmem_shared>>
    tpu.wait_indirect_dma semaphore(%arg22 : memref<!tpu.dma_semaphore, #tpu.memory_space<semaphore_mem>>) src(%arg10 : memref<112x128xf32, #tpu.memory_space<vmem>>) dst(%dma_wait3A_32 : memref<256x128xf32, #tpu.memory_space<vmem_shared>>)
    %dma_wait3A_33 = arith.constant 0 : i32
    %dma_wait3A_34 = arith.constant 0 : i32
    %dma_wait3A_35 = tpu.memref_slice %arg18[%dma_wait3A_33, %dma_wait3A_34] : memref<256x128xf32, #tpu.memory_space<vmem_shared>> -> memref<256x128xf32, #tpu.memory_space<vmem_shared>>
    tpu.wait_indirect_dma semaphore(%arg22 : memref<!tpu.dma_semaphore, #tpu.memory_space<semaphore_mem>>) src(%arg12 : memref<112x128xf32, #tpu.memory_space<vmem>>) dst(%dma_wait3A_35 : memref<256x128xf32, #tpu.memory_space<vmem_shared>>)
    %barrier3A_36 = arith.constant 0 : index
    tpu.barrier barrier_id(%barrier3A_36)
    %eq3A_37 = arith.constant 0 : i32
    %eq3A_38 = arith.cmpi eq, %arg1, %eq3A_37 : i32
    %convert_element_type3A_39 = arith.extui %eq3A_38 : i1 to i32
    %cond3A_40 = arith.constant 0 : i32
    %cond3A_41 = arith.cmpi ne, %convert_element_type3A_39, %cond3A_40 : i32
    scf.if %cond3A_41 {
      "tpu.region"() ({
        %run_scoped3A = tpu.sem_alloc : memref<!tpu.dma_semaphore, #tpu.memory_space<semaphore_mem>>
        %dma_start3A_42 = arith.constant 0 : i32
        %dma_start3A_43 = arith.constant 0 : i32
        %dma_start3A_44 = tpu.memref_slice %arg7[%arg0, %dma_start3A_42, %dma_start3A_43] : memref<2x256x128xf32, #tpu.memory_space<hbm>> -> memref<1x256x128xf32, #tpu.memory_space<hbm>>
        %dma_start3A_45 = tpu.memref_squeeze %dma_start3A_44 : memref<1x256x128xf32, #tpu.memory_space<hbm>> -> memref<256x128xf32, #tpu.memory_space<hbm>>
        tpu.enqueue_dma source(%arg17 : memref<256x128xf32, #tpu.memory_space<vmem_shared>>) target(%dma_start3A_45 : memref<256x128xf32, #tpu.memory_space<hbm>>) target_semaphore(%run_scoped3A : memref<!tpu.dma_semaphore, #tpu.memory_space<semaphore_mem>>)
        %dma_wait3A_46 = arith.constant 0 : i32
        %dma_wait3A_47 = arith.constant 0 : i32
        %dma_wait3A_48 = tpu.memref_slice %arg7[%arg0, %dma_wait3A_46, %dma_wait3A_47] : memref<2x256x128xf32, #tpu.memory_space<hbm>> -> memref<1x256x128xf32, #tpu.memory_space<hbm>>
        %dma_wait3A_49 = tpu.memref_squeeze %dma_wait3A_48 : memref<1x256x128xf32, #tpu.memory_space<hbm>> -> memref<256x128xf32, #tpu.memory_space<hbm>>
        tpu.wait_dma2 semaphore(%run_scoped3A : memref<!tpu.dma_semaphore, #tpu.memory_space<semaphore_mem>>) src(%arg17 : memref<256x128xf32, #tpu.memory_space<vmem_shared>>) dst(%dma_wait3A_49 : memref<256x128xf32, #tpu.memory_space<hbm>>)
        tpu.yield
      }) : () -> ()
      "tpu.region"() ({
        %run_scoped3A = tpu.sem_alloc : memref<!tpu.dma_semaphore, #tpu.memory_space<semaphore_mem>>
        %dma_start3A_42 = arith.constant 0 : i32
        %dma_start3A_43 = arith.constant 0 : i32
        %dma_start3A_44 = tpu.memref_slice %arg8[%arg0, %dma_start3A_42, %dma_start3A_43] : memref<2x256x128xf32, #tpu.memory_space<hbm>> -> memref<1x256x128xf32, #tpu.memory_space<hbm>>
        %dma_start3A_45 = tpu.memref_squeeze %dma_start3A_44 : memref<1x256x128xf32, #tpu.memory_space<hbm>> -> memref<256x128xf32, #tpu.memory_space<hbm>>
        tpu.enqueue_dma source(%arg18 : memref<256x128xf32, #tpu.memory_space<vmem_shared>>) target(%dma_start3A_45 : memref<256x128xf32, #tpu.memory_space<hbm>>) target_semaphore(%run_scoped3A : memref<!tpu.dma_semaphore, #tpu.memory_space<semaphore_mem>>)
        %dma_wait3A_46 = arith.constant 0 : i32
        %dma_wait3A_47 = arith.constant 0 : i32
        %dma_wait3A_48 = tpu.memref_slice %arg8[%arg0, %dma_wait3A_46, %dma_wait3A_47] : memref<2x256x128xf32, #tpu.memory_space<hbm>> -> memref<1x256x128xf32, #tpu.memory_space<hbm>>
        %dma_wait3A_49 = tpu.memref_squeeze %dma_wait3A_48 : memref<1x256x128xf32, #tpu.memory_space<hbm>> -> memref<256x128xf32, #tpu.memory_space<hbm>>
        tpu.wait_dma2 semaphore(%run_scoped3A : memref<!tpu.dma_semaphore, #tpu.memory_space<semaphore_mem>>) src(%arg18 : memref<256x128xf32, #tpu.memory_space<vmem_shared>>) dst(%dma_wait3A_49 : memref<256x128xf32, #tpu.memory_space<hbm>>)
        tpu.yield
      }) : () -> ()
    } else {
    }
    return
  }
}

module attributes {stable_mosaic.version = 14 : i64} {
  func.func @_combine_kernel(%arg0: memref<2x256x128xf32, #tpu.memory_space<vmem>>, %arg1: memref<2x256x128xf32, #tpu.memory_space<vmem>>, %arg2: memref<256x128xf32, #tpu.memory_space<vmem>>, %arg3: memref<256x128xf32, #tpu.memory_space<vmem>>, %arg4: memref<256x1xf32, #tpu.memory_space<vmem>>, %arg5: memref<256x1xf32, #tpu.memory_space<vmem>>, %arg6: memref<256x1xf32, #tpu.memory_space<vmem>>, %arg7: memref<1x1xf32, #tpu.memory_space<vmem>>, %arg8: memref<256x1xf32, #tpu.memory_space<vmem>>) attributes {dimension_semantics = [], scalar_prefetch = 0 : i64, scratch_operands = 0 : i64, tpu.core_type = #tpu.core_type<tc>} {
    %get3A = arith.constant 0 : index
    %get3A_0 = arith.constant 0 : index
    %get3A_1 = arith.constant 0 : index
    %get3A_2 = vector.load %arg0[%get3A, %get3A_0, %get3A_1] : memref<2x256x128xf32, #tpu.memory_space<vmem>>, vector<1x256x128xf32>
    %get3A_3 = vector.shape_cast %get3A_2 : vector<1x256x128xf32> to vector<256x128xf32>
    %get3A_4 = arith.constant 1 : index
    %get3A_5 = arith.constant 0 : index
    %get3A_6 = arith.constant 0 : index
    %get3A_7 = vector.load %arg0[%get3A_4, %get3A_5, %get3A_6] : memref<2x256x128xf32, #tpu.memory_space<vmem>>, vector<1x256x128xf32>
    %get3A_8 = vector.shape_cast %get3A_7 : vector<1x256x128xf32> to vector<256x128xf32>
    %add3A = arith.addf %get3A_3, %get3A_8 : vector<256x128xf32>
    %get3A_9 = arith.constant 0 : index
    %get3A_10 = arith.constant 0 : index
    %get3A_11 = vector.load %arg2[%get3A_9, %get3A_10] : memref<256x128xf32, #tpu.memory_space<vmem>>, vector<256x128xf32>
    %add3A_12 = arith.addf %add3A, %get3A_11 : vector<256x128xf32>
    %get3A_13 = arith.constant 0 : index
    %get3A_14 = arith.constant 0 : index
    %get3A_15 = arith.constant 0 : index
    %get3A_16 = vector.load %arg1[%get3A_13, %get3A_14, %get3A_15] : memref<2x256x128xf32, #tpu.memory_space<vmem>>, vector<1x256x128xf32>
    %get3A_17 = vector.shape_cast %get3A_16 : vector<1x256x128xf32> to vector<256x128xf32>
    %get3A_18 = arith.constant 1 : index
    %get3A_19 = arith.constant 0 : index
    %get3A_20 = arith.constant 0 : index
    %get3A_21 = vector.load %arg1[%get3A_18, %get3A_19, %get3A_20] : memref<2x256x128xf32, #tpu.memory_space<vmem>>, vector<1x256x128xf32>
    %get3A_22 = vector.shape_cast %get3A_21 : vector<1x256x128xf32> to vector<256x128xf32>
    %add3A_23 = arith.addf %get3A_17, %get3A_22 : vector<256x128xf32>
    %get3A_24 = arith.constant 0 : index
    %get3A_25 = arith.constant 0 : index
    %get3A_26 = vector.load %arg3[%get3A_24, %get3A_25] : memref<256x128xf32, #tpu.memory_space<vmem>>, vector<256x128xf32>
    %add3A_27 = arith.addf %add3A_23, %get3A_26 : vector<256x128xf32>
    %get3A_28 = arith.constant 0 : index
    %get3A_29 = arith.constant 0 : index
    %get3A_30 = vector.load %arg4[%get3A_28, %get3A_29] : memref<256x1xf32, #tpu.memory_space<vmem>>, vector<256x1xf32>
    %max3A = arith.constant 1.000000e+00 : f32
    %max3A_31 = vector.broadcast %max3A : f32 to vector<256x1xf32>
    %max3A_32 = arith.maximumf %get3A_30, %max3A_31 : vector<256x1xf32>
    %div3A = vector.broadcast %max3A_32 : vector<256x1xf32> to vector<256x128xf32>
    %div3A_33 = arith.divf %add3A_12, %div3A : vector<256x128xf32>
    %get3A_34 = arith.constant 0 : index
    %get3A_35 = arith.constant 0 : index
    %get3A_36 = vector.load %arg5[%get3A_34, %get3A_35] : memref<256x1xf32, #tpu.memory_space<vmem>>, vector<256x1xf32>
    %max3A_37 = arith.constant 1.000000e+00 : f32
    %max3A_38 = vector.broadcast %max3A_37 : f32 to vector<256x1xf32>
    %max3A_39 = arith.maximumf %get3A_36, %max3A_38 : vector<256x1xf32>
    %div3A_40 = vector.broadcast %max3A_39 : vector<256x1xf32> to vector<256x128xf32>
    %div3A_41 = arith.divf %add3A_27, %div3A_40 : vector<256x128xf32>
    %get3A_42 = arith.constant 0 : index
    %get3A_43 = arith.constant 0 : index
    %get3A_44 = vector.load %arg6[%get3A_42, %get3A_43] : memref<256x1xf32, #tpu.memory_space<vmem>>, vector<128x1xf32>
    %get3A_45 = arith.constant 128 : index
    %get3A_46 = arith.constant 0 : index
    %get3A_47 = vector.load %arg6[%get3A_45, %get3A_46] : memref<256x1xf32, #tpu.memory_space<vmem>>, vector<128x1xf32>
    %dot_general3A = arith.constant dense<0.000000e+00> : vector<256x1xf32>
    %dot_general3A_48 = tpu.matmul %div3A_33, %get3A_44, %dot_general3A {dimension_numbers = #tpu.dot_dimension_numbers<[1], [0], [0], [1], [0, 0, 1, 1], [], []>, transpose_lhs_hint = false} : vector<256x128xf32>, vector<128x1xf32>, vector<256x1xf32> -> vector<256x1xf32>
    %dot_general3A_49 = arith.constant dense<0.000000e+00> : vector<256x1xf32>
    %dot_general3A_50 = tpu.matmul %div3A_41, %get3A_47, %dot_general3A_49 {dimension_numbers = #tpu.dot_dimension_numbers<[1], [0], [0], [1], [0, 0, 1, 1], [], []>, transpose_lhs_hint = false} : vector<256x128xf32>, vector<128x1xf32>, vector<256x1xf32> -> vector<256x1xf32>
    %add3A_51 = arith.addf %dot_general3A_48, %dot_general3A_50 : vector<256x1xf32>
    %get3A_52 = arith.constant 0 : index
    %get3A_53 = arith.constant 0 : index
    %get3A_54 = vector.load %arg7[%get3A_52, %get3A_53] : memref<1x1xf32, #tpu.memory_space<vmem>>, vector<1x1xf32>
    %get3A_55 = vector.extract %get3A_54[0, 0] : f32 from vector<1x1xf32>
    %add3A_56 = vector.broadcast %get3A_55 : f32 to vector<256x1xf32>
    %add3A_57 = arith.addf %add3A_51, %add3A_56 : vector<256x1xf32>
    %swap3A = arith.constant 0 : index
    %swap3A_58 = arith.constant 0 : index
    %swap3A_59 = vector.load %arg8[%swap3A, %swap3A_58] : memref<256x1xf32, #tpu.memory_space<vmem>>, vector<256x1xf32>
    tpu.vector_store %arg8[%swap3A, %swap3A_58], %add3A_57 {strides = array<i32>} : memref<256x1xf32, #tpu.memory_space<vmem>>, vector<256x1xf32>,
    return
  }
}

module attributes {stable_mosaic.version = 14 : i64} {
  func.func @_counts_kernel(%arg0: i32, %arg1: memref<100000xi32, #tpu.memory_space<vmem>>, %arg2: memref<100000xi32, #tpu.memory_space<vmem>>, %arg3: memref<256x1xf32, #tpu.memory_space<vmem>>, %arg4: memref<256x1xf32, #tpu.memory_space<vmem>>) attributes {dimension_semantics = [#tpu.dimension_semantics<arbitrary>], iteration_bounds = array<i64: 1>, scalar_prefetch = 0 : i64, scratch_operands = 0 : i64, tpu.core_type = #tpu.core_type<tc>, window_params = [{pipeline_mode = #tpu.pipeline_mode<synchronous>, transform_indices = @transform_0, window_bounds = array<i64: 100000>}, {pipeline_mode = #tpu.pipeline_mode<synchronous>, transform_indices = @transform_1, window_bounds = array<i64: 100000>}, {pipeline_mode = #tpu.pipeline_mode<synchronous>, transform_indices = @transform_2, window_bounds = array<i64: 256, 1>}, {pipeline_mode = #tpu.pipeline_mode<synchronous>, transform_indices = @transform_3, window_bounds = array<i64: 256, 1>}]} {
    %broadcast_in_dim3A = arith.constant 0.000000e+00 : f32
    %broadcast_in_dim3A_0 = vector.broadcast %broadcast_in_dim3A : f32 to vector<16x16xf32>
    %broadcast_in_dim3A_1 = arith.constant 0.000000e+00 : f32
    %broadcast_in_dim3A_2 = vector.broadcast %broadcast_in_dim3A_1 : f32 to vector<16x16xf32>
    %get3A = arith.constant 0 : index
    %get3A_3 = vector.load %arg1[%get3A] : memref<100000xi32, #tpu.memory_space<vmem>>, vector<25000xi32>
    %shift_right_logical3A = arith.constant 4 : i32
    %shift_right_logical3A_4 = vector.broadcast %shift_right_logical3A : i32 to vector<25000xi32>
    %shift_right_logical3A_5 = arith.shrui %get3A_3, %shift_right_logical3A_4 : vector<25000xi32>
    %and3A = arith.constant 15 : i32
    %and3A_6 = vector.broadcast %and3A : i32 to vector<25000xi32>
    %and3A_7 = arith.andi %get3A_3, %and3A_6 : vector<25000xi32>
    %iota3A = tpu.iota {dimensions = array<i32: 0>} : vector<16x25000xi32>
    %broadcast_in_dim3A_8 = vector.shape_cast %shift_right_logical3A_5 : vector<25000xi32> to vector<1x25000xi32>
    %eq3A = vector.broadcast %broadcast_in_dim3A_8 : vector<1x25000xi32> to vector<16x25000xi32>
    %eq3A_9 = arith.cmpi eq, %iota3A, %eq3A : vector<16x25000xi32>
    %convert_element_type3A = arith.extui %eq3A_9 : vector<16x25000xi1> to vector<16x25000xi32>
    %convert_element_type3A_10 = arith.sitofp %convert_element_type3A : vector<16x25000xi32> to vector<16x25000xf32>
    %convert_element_type3A_11 = arith.truncf %convert_element_type3A_10 : vector<16x25000xf32> to vector<16x25000xbf16>
    %broadcast_in_dim3A_12 = vector.shape_cast %and3A_7 : vector<25000xi32> to vector<1x25000xi32>
    %eq3A_13 = vector.broadcast %broadcast_in_dim3A_12 : vector<1x25000xi32> to vector<16x25000xi32>
    %eq3A_14 = arith.cmpi eq, %iota3A, %eq3A_13 : vector<16x25000xi32>
    %convert_element_type3A_15 = arith.extui %eq3A_14 : vector<16x25000xi1> to vector<16x25000xi32>
    %convert_element_type3A_16 = arith.sitofp %convert_element_type3A_15 : vector<16x25000xi32> to vector<16x25000xf32>
    %convert_element_type3A_17 = arith.truncf %convert_element_type3A_16 : vector<16x25000xf32> to vector<16x25000xbf16>
    %dot_general3A = arith.constant dense<0.000000e+00> : vector<16x16xf32>
    %dot_general3A_18 = tpu.matmul %convert_element_type3A_11, %convert_element_type3A_17, %dot_general3A {dimension_numbers = #tpu.dot_dimension_numbers<[1], [1], [0], [0], [0, 0, 1, 0], [], []>, transpose_lhs_hint = false} : vector<16x25000xbf16>, vector<16x25000xbf16>, vector<16x16xf32> -> vector<16x16xf32>
    %add3A = arith.addf %broadcast_in_dim3A_0, %dot_general3A_18 : vector<16x16xf32>
    %get3A_19 = arith.constant 0 : index
    %get3A_20 = vector.load %arg2[%get3A_19] : memref<100000xi32, #tpu.memory_space<vmem>>, vector<25000xi32>
    %shift_right_logical3A_21 = arith.constant 4 : i32
    %shift_right_logical3A_22 = vector.broadcast %shift_right_logical3A_21 : i32 to vector<25000xi32>
    %shift_right_logical3A_23 = arith.shrui %get3A_20, %shift_right_logical3A_22 : vector<25000xi32>
    %and3A_24 = arith.constant 15 : i32
    %and3A_25 = vector.broadcast %and3A_24 : i32 to vector<25000xi32>
    %and3A_26 = arith.andi %get3A_20, %and3A_25 : vector<25000xi32>
    %iota3A_27 = tpu.iota {dimensions = array<i32: 0>} : vector<16x25000xi32>
    %broadcast_in_dim3A_28 = vector.shape_cast %shift_right_logical3A_23 : vector<25000xi32> to vector<1x25000xi32>
    %eq3A_29 = vector.broadcast %broadcast_in_dim3A_28 : vector<1x25000xi32> to vector<16x25000xi32>
    %eq3A_30 = arith.cmpi eq, %iota3A_27, %eq3A_29 : vector<16x25000xi32>
    %convert_element_type3A_31 = arith.extui %eq3A_30 : vector<16x25000xi1> to vector<16x25000xi32>
    %convert_element_type3A_32 = arith.sitofp %convert_element_type3A_31 : vector<16x25000xi32> to vector<16x25000xf32>
    %convert_element_type3A_33 = arith.truncf %convert_element_type3A_32 : vector<16x25000xf32> to vector<16x25000xbf16>
    %broadcast_in_dim3A_34 = vector.shape_cast %and3A_26 : vector<25000xi32> to vector<1x25000xi32>
    %eq3A_35 = vector.broadcast %broadcast_in_dim3A_34 : vector<1x25000xi32> to vector<16x25000xi32>
    %eq3A_36 = arith.cmpi eq, %iota3A_27, %eq3A_35 : vector<16x25000xi32>
    %convert_element_type3A_37 = arith.extui %eq3A_36 : vector<16x25000xi1> to vector<16x25000xi32>
    %convert_element_type3A_38 = arith.sitofp %convert_element_type3A_37 : vector<16x25000xi32> to vector<16x25000xf32>
    %convert_element_type3A_39 = arith.truncf %convert_element_type3A_38 : vector<16x25000xf32> to vector<16x25000xbf16>
    %dot_general3A_40 = arith.constant dense<0.000000e+00> : vector<16x16xf32>
    %dot_general3A_41 = tpu.matmul %convert_element_type3A_33, %convert_element_type3A_39, %dot_general3A_40 {dimension_numbers = #tpu.dot_dimension_numbers<[1], [1], [0], [0], [0, 0, 1, 0], [], []>, transpose_lhs_hint = false} : vector<16x25000xbf16>, vector<16x25000xbf16>, vector<16x16xf32> -> vector<16x16xf32>
    %add3A_42 = arith.addf %broadcast_in_dim3A_2, %dot_general3A_41 : vector<16x16xf32>
    %get3A_43 = arith.constant 25000 : index
    %get3A_44 = vector.load %arg1[%get3A_43] : memref<100000xi32, #tpu.memory_space<vmem>>, vector<25000xi32>
    %shift_right_logical3A_45 = arith.constant 4 : i32
    %shift_right_logical3A_46 = vector.broadcast %shift_right_logical3A_45 : i32 to vector<25000xi32>
    %shift_right_logical3A_47 = arith.shrui %get3A_44, %shift_right_logical3A_46 : vector<25000xi32>
    %and3A_48 = arith.constant 15 : i32
    %and3A_49 = vector.broadcast %and3A_48 : i32 to vector<25000xi32>
    %and3A_50 = arith.andi %get3A_44, %and3A_49 : vector<25000xi32>
    %iota3A_51 = tpu.iota {dimensions = array<i32: 0>} : vector<16x25000xi32>
    %broadcast_in_dim3A_52 = vector.shape_cast %shift_right_logical3A_47 : vector<25000xi32> to vector<1x25000xi32>
    %eq3A_53 = vector.broadcast %broadcast_in_dim3A_52 : vector<1x25000xi32> to vector<16x25000xi32>
    %eq3A_54 = arith.cmpi eq, %iota3A_51, %eq3A_53 : vector<16x25000xi32>
    %convert_element_type3A_55 = arith.extui %eq3A_54 : vector<16x25000xi1> to vector<16x25000xi32>
    %convert_element_type3A_56 = arith.sitofp %convert_element_type3A_55 : vector<16x25000xi32> to vector<16x25000xf32>
    %convert_element_type3A_57 = arith.truncf %convert_element_type3A_56 : vector<16x25000xf32> to vector<16x25000xbf16>
    %broadcast_in_dim3A_58 = vector.shape_cast %and3A_50 : vector<25000xi32> to vector<1x25000xi32>
    %eq3A_59 = vector.broadcast %broadcast_in_dim3A_58 : vector<1x25000xi32> to vector<16x25000xi32>
    %eq3A_60 = arith.cmpi eq, %iota3A_51, %eq3A_59 : vector<16x25000xi32>
    %convert_element_type3A_61 = arith.extui %eq3A_60 : vector<16x25000xi1> to vector<16x25000xi32>
    %convert_element_type3A_62 = arith.sitofp %convert_element_type3A_61 : vector<16x25000xi32> to vector<16x25000xf32>
    %convert_element_type3A_63 = arith.truncf %convert_element_type3A_62 : vector<16x25000xf32> to vector<16x25000xbf16>
    %dot_general3A_64 = arith.constant dense<0.000000e+00> : vector<16x16xf32>
    %dot_general3A_65 = tpu.matmul %convert_element_type3A_57, %convert_element_type3A_63, %dot_general3A_64 {dimension_numbers = #tpu.dot_dimension_numbers<[1], [1], [0], [0], [0, 0, 1, 0], [], []>, transpose_lhs_hint = false} : vector<16x25000xbf16>, vector<16x25000xbf16>, vector<16x16xf32> -> vector<16x16xf32>
    %add3A_66 = arith.addf %add3A, %dot_general3A_65 : vector<16x16xf32>
    %get3A_67 = arith.constant 25000 : index
    %get3A_68 = vector.load %arg2[%get3A_67] : memref<100000xi32, #tpu.memory_space<vmem>>, vector<25000xi32>
    %shift_right_logical3A_69 = arith.constant 4 : i32
    %shift_right_logical3A_70 = vector.broadcast %shift_right_logical3A_69 : i32 to vector<25000xi32>
    %shift_right_logical3A_71 = arith.shrui %get3A_68, %shift_right_logical3A_70 : vector<25000xi32>
    %and3A_72 = arith.constant 15 : i32
    %and3A_73 = vector.broadcast %and3A_72 : i32 to vector<25000xi32>
    %and3A_74 = arith.andi %get3A_68, %and3A_73 : vector<25000xi32>
    %iota3A_75 = tpu.iota {dimensions = array<i32: 0>} : vector<16x25000xi32>
    %broadcast_in_dim3A_76 = vector.shape_cast %shift_right_logical3A_71 : vector<25000xi32> to vector<1x25000xi32>
    %eq3A_77 = vector.broadcast %broadcast_in_dim3A_76 : vector<1x25000xi32> to vector<16x25000xi32>
    %eq3A_78 = arith.cmpi eq, %iota3A_75, %eq3A_77 : vector<16x25000xi32>
    %convert_element_type3A_79 = arith.extui %eq3A_78 : vector<16x25000xi1> to vector<16x25000xi32>
    %convert_element_type3A_80 = arith.sitofp %convert_element_type3A_79 : vector<16x25000xi32> to vector<16x25000xf32>
    %convert_element_type3A_81 = arith.truncf %convert_element_type3A_80 : vector<16x25000xf32> to vector<16x25000xbf16>
    %broadcast_in_dim3A_82 = vector.shape_cast %and3A_74 : vector<25000xi32> to vector<1x25000xi32>
    %eq3A_83 = vector.broadcast %broadcast_in_dim3A_82 : vector<1x25000xi32> to vector<16x25000xi32>
    %eq3A_84 = arith.cmpi eq, %iota3A_75, %eq3A_83 : vector<16x25000xi32>
    %convert_element_type3A_85 = arith.extui %eq3A_84 : vector<16x25000xi1> to vector<16x25000xi32>
    %convert_element_type3A_86 = arith.sitofp %convert_element_type3A_85 : vector<16x25000xi32> to vector<16x25000xf32>
    %convert_element_type3A_87 = arith.truncf %convert_element_type3A_86 : vector<16x25000xf32> to vector<16x25000xbf16>
    %dot_general3A_88 = arith.constant dense<0.000000e+00> : vector<16x16xf32>
    %dot_general3A_89 = tpu.matmul %convert_element_type3A_81, %convert_element_type3A_87, %dot_general3A_88 {dimension_numbers = #tpu.dot_dimension_numbers<[1], [1], [0], [0], [0, 0, 1, 0], [], []>, transpose_lhs_hint = false} : vector<16x25000xbf16>, vector<16x25000xbf16>, vector<16x16xf32> -> vector<16x16xf32>
    %add3A_90 = arith.addf %add3A_42, %dot_general3A_89 : vector<16x16xf32>
    %get3A_91 = arith.constant 50000 : index
    %get3A_92 = vector.load %arg1[%get3A_91] : memref<100000xi32, #tpu.memory_space<vmem>>, vector<25000xi32>
    %shift_right_logical3A_93 = arith.constant 4 : i32
    %shift_right_logical3A_94 = vector.broadcast %shift_right_logical3A_93 : i32 to vector<25000xi32>
    %shift_right_logical3A_95 = arith.shrui %get3A_92, %shift_right_logical3A_94 : vector<25000xi32>
    %and3A_96 = arith.constant 15 : i32
    %and3A_97 = vector.broadcast %and3A_96 : i32 to vector<25000xi32>
    %and3A_98 = arith.andi %get3A_92, %and3A_97 : vector<25000xi32>
    %iota3A_99 = tpu.iota {dimensions = array<i32: 0>} : vector<16x25000xi32>
    %broadcast_in_dim3A_100 = vector.shape_cast %shift_right_logical3A_95 : vector<25000xi32> to vector<1x25000xi32>
    %eq3A_101 = vector.broadcast %broadcast_in_dim3A_100 : vector<1x25000xi32> to vector<16x25000xi32>
    %eq3A_102 = arith.cmpi eq, %iota3A_99, %eq3A_101 : vector<16x25000xi32>
    %convert_element_type3A_103 = arith.extui %eq3A_102 : vector<16x25000xi1> to vector<16x25000xi32>
    %convert_element_type3A_104 = arith.sitofp %convert_element_type3A_103 : vector<16x25000xi32> to vector<16x25000xf32>
    %convert_element_type3A_105 = arith.truncf %convert_element_type3A_104 : vector<16x25000xf32> to vector<16x25000xbf16>
    %broadcast_in_dim3A_106 = vector.shape_cast %and3A_98 : vector<25000xi32> to vector<1x25000xi32>
    %eq3A_107 = vector.broadcast %broadcast_in_dim3A_106 : vector<1x25000xi32> to vector<16x25000xi32>
    %eq3A_108 = arith.cmpi eq, %iota3A_99, %eq3A_107 : vector<16x25000xi32>
    %convert_element_type3A_109 = arith.extui %eq3A_108 : vector<16x25000xi1> to vector<16x25000xi32>
    %convert_element_type3A_110 = arith.sitofp %convert_element_type3A_109 : vector<16x25000xi32> to vector<16x25000xf32>
    %convert_element_type3A_111 = arith.truncf %convert_element_type3A_110 : vector<16x25000xf32> to vector<16x25000xbf16>
    %dot_general3A_112 = arith.constant dense<0.000000e+00> : vector<16x16xf32>
    %dot_general3A_113 = tpu.matmul %convert_element_type3A_105, %convert_element_type3A_111, %dot_general3A_112 {dimension_numbers = #tpu.dot_dimension_numbers<[1], [1], [0], [0], [0, 0, 1, 0], [], []>, transpose_lhs_hint = false} : vector<16x25000xbf16>, vector<16x25000xbf16>, vector<16x16xf32> -> vector<16x16xf32>
    %add3A_114 = arith.addf %add3A_66, %dot_general3A_113 : vector<16x16xf32>
    %get3A_115 = arith.constant 50000 : index
    %get3A_116 = vector.load %arg2[%get3A_115] : memref<100000xi32, #tpu.memory_space<vmem>>, vector<25000xi32>
    %shift_right_logical3A_117 = arith.constant 4 : i32
    %shift_right_logical3A_118 = vector.broadcast %shift_right_logical3A_117 : i32 to vector<25000xi32>
    %shift_right_logical3A_119 = arith.shrui %get3A_116, %shift_right_logical3A_118 : vector<25000xi32>
    %and3A_120 = arith.constant 15 : i32
    %and3A_121 = vector.broadcast %and3A_120 : i32 to vector<25000xi32>
    %and3A_122 = arith.andi %get3A_116, %and3A_121 : vector<25000xi32>
    %iota3A_123 = tpu.iota {dimensions = array<i32: 0>} : vector<16x25000xi32>
    %broadcast_in_dim3A_124 = vector.shape_cast %shift_right_logical3A_119 : vector<25000xi32> to vector<1x25000xi32>
    %eq3A_125 = vector.broadcast %broadcast_in_dim3A_124 : vector<1x25000xi32> to vector<16x25000xi32>
    %eq3A_126 = arith.cmpi eq, %iota3A_123, %eq3A_125 : vector<16x25000xi32>
    %convert_element_type3A_127 = arith.extui %eq3A_126 : vector<16x25000xi1> to vector<16x25000xi32>
    %convert_element_type3A_128 = arith.sitofp %convert_element_type3A_127 : vector<16x25000xi32> to vector<16x25000xf32>
    %convert_element_type3A_129 = arith.truncf %convert_element_type3A_128 : vector<16x25000xf32> to vector<16x25000xbf16>
    %broadcast_in_dim3A_130 = vector.shape_cast %and3A_122 : vector<25000xi32> to vector<1x25000xi32>
    %eq3A_131 = vector.broadcast %broadcast_in_dim3A_130 : vector<1x25000xi32> to vector<16x25000xi32>
    %eq3A_132 = arith.cmpi eq, %iota3A_123, %eq3A_131 : vector<16x25000xi32>
    %convert_element_type3A_133 = arith.extui %eq3A_132 : vector<16x25000xi1> to vector<16x25000xi32>
    %convert_element_type3A_134 = arith.sitofp %convert_element_type3A_133 : vector<16x25000xi32> to vector<16x25000xf32>
    %convert_element_type3A_135 = arith.truncf %convert_element_type3A_134 : vector<16x25000xf32> to vector<16x25000xbf16>
    %dot_general3A_136 = arith.constant dense<0.000000e+00> : vector<16x16xf32>
    %dot_general3A_137 = tpu.matmul %convert_element_type3A_129, %convert_element_type3A_135, %dot_general3A_136 {dimension_numbers = #tpu.dot_dimension_numbers<[1], [1], [0], [0], [0, 0, 1, 0], [], []>, transpose_lhs_hint = false} : vector<16x25000xbf16>, vector<16x25000xbf16>, vector<16x16xf32> -> vector<16x16xf32>
    %add3A_138 = arith.addf %add3A_90, %dot_general3A_137 : vector<16x16xf32>
    %get3A_139 = arith.constant 75000 : index
    %get3A_140 = vector.load %arg1[%get3A_139] : memref<100000xi32, #tpu.memory_space<vmem>>, vector<25000xi32>
    %shift_right_logical3A_141 = arith.constant 4 : i32
    %shift_right_logical3A_142 = vector.broadcast %shift_right_logical3A_141 : i32 to vector<25000xi32>
    %shift_right_logical3A_143 = arith.shrui %get3A_140, %shift_right_logical3A_142 : vector<25000xi32>
    %and3A_144 = arith.constant 15 : i32
    %and3A_145 = vector.broadcast %and3A_144 : i32 to vector<25000xi32>
    %and3A_146 = arith.andi %get3A_140, %and3A_145 : vector<25000xi32>
    %iota3A_147 = tpu.iota {dimensions = array<i32: 0>} : vector<16x25000xi32>
    %broadcast_in_dim3A_148 = vector.shape_cast %shift_right_logical3A_143 : vector<25000xi32> to vector<1x25000xi32>
    %eq3A_149 = vector.broadcast %broadcast_in_dim3A_148 : vector<1x25000xi32> to vector<16x25000xi32>
    %eq3A_150 = arith.cmpi eq, %iota3A_147, %eq3A_149 : vector<16x25000xi32>
    %convert_element_type3A_151 = arith.extui %eq3A_150 : vector<16x25000xi1> to vector<16x25000xi32>
    %convert_element_type3A_152 = arith.sitofp %convert_element_type3A_151 : vector<16x25000xi32> to vector<16x25000xf32>
    %convert_element_type3A_153 = arith.truncf %convert_element_type3A_152 : vector<16x25000xf32> to vector<16x25000xbf16>
    %broadcast_in_dim3A_154 = vector.shape_cast %and3A_146 : vector<25000xi32> to vector<1x25000xi32>
    %eq3A_155 = vector.broadcast %broadcast_in_dim3A_154 : vector<1x25000xi32> to vector<16x25000xi32>
    %eq3A_156 = arith.cmpi eq, %iota3A_147, %eq3A_155 : vector<16x25000xi32>
    %convert_element_type3A_157 = arith.extui %eq3A_156 : vector<16x25000xi1> to vector<16x25000xi32>
    %convert_element_type3A_158 = arith.sitofp %convert_element_type3A_157 : vector<16x25000xi32> to vector<16x25000xf32>
    %convert_element_type3A_159 = arith.truncf %convert_element_type3A_158 : vector<16x25000xf32> to vector<16x25000xbf16>
    %dot_general3A_160 = arith.constant dense<0.000000e+00> : vector<16x16xf32>
    %dot_general3A_161 = tpu.matmul %convert_element_type3A_153, %convert_element_type3A_159, %dot_general3A_160 {dimension_numbers = #tpu.dot_dimension_numbers<[1], [1], [0], [0], [0, 0, 1, 0], [], []>, transpose_lhs_hint = false} : vector<16x25000xbf16>, vector<16x25000xbf16>, vector<16x16xf32> -> vector<16x16xf32>
    %add3A_162 = arith.addf %add3A_114, %dot_general3A_161 : vector<16x16xf32>
    %get3A_163 = arith.constant 75000 : index
    %get3A_164 = vector.load %arg2[%get3A_163] : memref<100000xi32, #tpu.memory_space<vmem>>, vector<25000xi32>
    %shift_right_logical3A_165 = arith.constant 4 : i32
    %shift_right_logical3A_166 = vector.broadcast %shift_right_logical3A_165 : i32 to vector<25000xi32>
    %shift_right_logical3A_167 = arith.shrui %get3A_164, %shift_right_logical3A_166 : vector<25000xi32>
    %and3A_168 = arith.constant 15 : i32
    %and3A_169 = vector.broadcast %and3A_168 : i32 to vector<25000xi32>
    %and3A_170 = arith.andi %get3A_164, %and3A_169 : vector<25000xi32>
    %iota3A_171 = tpu.iota {dimensions = array<i32: 0>} : vector<16x25000xi32>
    %broadcast_in_dim3A_172 = vector.shape_cast %shift_right_logical3A_167 : vector<25000xi32> to vector<1x25000xi32>
    %eq3A_173 = vector.broadcast %broadcast_in_dim3A_172 : vector<1x25000xi32> to vector<16x25000xi32>
    %eq3A_174 = arith.cmpi eq, %iota3A_171, %eq3A_173 : vector<16x25000xi32>
    %convert_element_type3A_175 = arith.extui %eq3A_174 : vector<16x25000xi1> to vector<16x25000xi32>
    %convert_element_type3A_176 = arith.sitofp %convert_element_type3A_175 : vector<16x25000xi32> to vector<16x25000xf32>
    %convert_element_type3A_177 = arith.truncf %convert_element_type3A_176 : vector<16x25000xf32> to vector<16x25000xbf16>
    %broadcast_in_dim3A_178 = vector.shape_cast %and3A_170 : vector<25000xi32> to vector<1x25000xi32>
    %eq3A_179 = vector.broadcast %broadcast_in_dim3A_178 : vector<1x25000xi32> to vector<16x25000xi32>
    %eq3A_180 = arith.cmpi eq, %iota3A_171, %eq3A_179 : vector<16x25000xi32>
    %convert_element_type3A_181 = arith.extui %eq3A_180 : vector<16x25000xi1> to vector<16x25000xi32>
    %convert_element_type3A_182 = arith.sitofp %convert_element_type3A_181 : vector<16x25000xi32> to vector<16x25000xf32>
    %convert_element_type3A_183 = arith.truncf %convert_element_type3A_182 : vector<16x25000xf32> to vector<16x25000xbf16>
    %dot_general3A_184 = arith.constant dense<0.000000e+00> : vector<16x16xf32>
    %dot_general3A_185 = tpu.matmul %convert_element_type3A_177, %convert_element_type3A_183, %dot_general3A_184 {dimension_numbers = #tpu.dot_dimension_numbers<[1], [1], [0], [0], [0, 0, 1, 0], [], []>, transpose_lhs_hint = false} : vector<16x25000xbf16>, vector<16x25000xbf16>, vector<16x16xf32> -> vector<16x16xf32>
    %add3A_186 = arith.addf %add3A_138, %dot_general3A_185 : vector<16x16xf32>
    %iota3A_187 = tpu.iota {dimensions = array<i32: 0>} : vector<256x16xi32>
    %iota3A_188 = tpu.iota {dimensions = array<i32: 1>} : vector<256x16xi32>
    %jit3A = arith.constant 16 : i32
    %div3A = vector.broadcast %jit3A : i32 to vector<256x16xi32>
    %div3A_189 = arith.divsi %iota3A_187, %div3A : vector<256x16xi32>
    %sign3A = arith.constant 0 : i32
    %sign3A_190 = vector.broadcast %sign3A : i32 to vector<256x16xi32>
    %sign3A_191 = arith.cmpi sgt, %iota3A_187, %sign3A_190 : vector<256x16xi32>
    %sign3A_192 = arith.extui %sign3A_191 : vector<256x16xi1> to vector<256x16xi32>
    %sign3A_193 = arith.constant 0 : i32
    %sign3A_194 = vector.broadcast %sign3A_193 : i32 to vector<256x16xi32>
    %sign3A_195 = arith.cmpi slt, %iota3A_187, %sign3A_194 : vector<256x16xi32>
    %sign3A_196 = arith.extui %sign3A_195 : vector<256x16xi1> to vector<256x16xi32>
    %sign3A_197 = arith.subi %sign3A_192, %sign3A_196 : vector<256x16xi32>
    %sign3A_198 = arith.constant 0 : i32
    %sign3A_199 = arith.cmpi sgt, %jit3A, %sign3A_198 : i32
    %sign3A_200 = arith.extui %sign3A_199 : i1 to i32
    %sign3A_201 = arith.constant 0 : i32
    %sign3A_202 = arith.cmpi slt, %jit3A, %sign3A_201 : i32
    %sign3A_203 = arith.extui %sign3A_202 : i1 to i32
    %sign3A_204 = arith.subi %sign3A_200, %sign3A_203 : i32
    %ne3A = vector.broadcast %sign3A_204 : i32 to vector<256x16xi32>
    %ne3A_205 = arith.cmpi ne, %sign3A_197, %ne3A : vector<256x16xi32>
    %rem3A = vector.broadcast %jit3A : i32 to vector<256x16xi32>
    %rem3A_206 = arith.remsi %iota3A_187, %rem3A : vector<256x16xi32>
    %ne3A_207 = arith.constant 0 : i32
    %ne3A_208 = vector.broadcast %ne3A_207 : i32 to vector<256x16xi32>
    %ne3A_209 = arith.cmpi ne, %rem3A_206, %ne3A_208 : vector<256x16xi32>
    %and3A_210 = arith.andi %ne3A_205, %ne3A_209 : vector<256x16xi1>
    %sub3A = arith.constant 1 : i32
    %sub3A_211 = vector.broadcast %sub3A : i32 to vector<256x16xi32>
    %sub3A_212 = arith.subi %div3A_189, %sub3A_211 : vector<256x16xi32>
    %select_n3A = arith.select %and3A_210, %sub3A_212, %div3A_189 : vector<256x16xi1>, vector<256x16xi32>
    %eq3A_213 = arith.cmpi eq, %select_n3A, %iota3A_188 : vector<256x16xi32>
    %convert_element_type3A_214 = arith.extui %eq3A_213 : vector<256x16xi1> to vector<256x16xi32>
    %convert_element_type3A_215 = arith.sitofp %convert_element_type3A_214 : vector<256x16xi32> to vector<256x16xf32>
    %jit3A_216 = arith.constant 16 : i32
    %eq3A_217 = arith.constant 0 : i32
    %eq3A_218 = arith.cmpi eq, %jit3A_216, %eq3A_217 : i32
    %jit3A_219 = arith.constant 1 : i32
    %select_n3A_220 = arith.select %eq3A_218, %jit3A_219, %jit3A_216 : i32
    %rem3A_221 = vector.broadcast %select_n3A_220 : i32 to vector<256x16xi32>
    %rem3A_222 = arith.remsi %iota3A_187, %rem3A_221 : vector<256x16xi32>
    %ne3A_223 = arith.constant 0 : i32
    %ne3A_224 = vector.broadcast %ne3A_223 : i32 to vector<256x16xi32>
    %ne3A_225 = arith.cmpi ne, %rem3A_222, %ne3A_224 : vector<256x16xi32>
    %lt3A = arith.constant 0 : i32
    %lt3A_226 = vector.broadcast %lt3A : i32 to vector<256x16xi32>
    %lt3A_227 = arith.cmpi slt, %rem3A_222, %lt3A_226 : vector<256x16xi32>
    %lt3A_228 = arith.constant 0 : i32
    %lt3A_229 = arith.cmpi slt, %select_n3A_220, %lt3A_228 : i32
    %ne3A_230 = vector.broadcast %lt3A_229 : i1 to vector<256x16xi1>
    %ne3A_231 = vector.broadcast %ne3A_230 : vector<256x16xi1> to vector<256x16xi1>
    %ne3A_232 = arith.xori %lt3A_227, %ne3A_231 : vector<256x16xi1>
    %and3A_233 = arith.andi %ne3A_232, %ne3A_225 : vector<256x16xi1>
    %add3A_234 = vector.broadcast %select_n3A_220 : i32 to vector<256x16xi32>
    %add3A_235 = arith.addi %rem3A_222, %add3A_234 : vector<256x16xi32>
    %select_n3A_236 = arith.select %and3A_233, %add3A_235, %rem3A_222 : vector<256x16xi1>, vector<256x16xi32>
    %eq3A_237 = arith.cmpi eq, %select_n3A_236, %iota3A_188 : vector<256x16xi32>
    %convert_element_type3A_238 = arith.extui %eq3A_237 : vector<256x16xi1> to vector<256x16xi32>
    %convert_element_type3A_239 = arith.sitofp %convert_element_type3A_238 : vector<256x16xi32> to vector<256x16xf32>
    %dot_general3A_240 = arith.constant dense<0.000000e+00> : vector<256x16xf32>
    %dot_general3A_241 = tpu.matmul %convert_element_type3A_215, %add3A_162, %dot_general3A_240 {dimension_numbers = #tpu.dot_dimension_numbers<[1], [0], [0], [1], [0, 0, 1, 1], [], []>, transpose_lhs_hint = false} : vector<256x16xf32>, vector<16x16xf32>, vector<256x16xf32> -> vector<256x16xf32>
    %mul3A = arith.mulf %dot_general3A_241, %convert_element_type3A_239 : vector<256x16xf32>
    %reduce_sum3A = arith.constant dense<0.000000e+00> : vector<256xf32>
    %reduce_sum3A_242 = vector.multi_reduction <add>, %mul3A, %reduce_sum3A [1] : vector<256x16xf32> to vector<256xf32>
    %broadcast_in_dim3A_243 = vector.shape_cast %reduce_sum3A_242 : vector<256xf32> to vector<256x1xf32>
    %swap3A = arith.constant 0 : index
    %swap3A_244 = arith.constant 0 : index
    %swap3A_245 = vector.load %arg3[%swap3A, %swap3A_244] : memref<256x1xf32, #tpu.memory_space<vmem>>, vector<256x1xf32>
    tpu.vector_store %arg3[%swap3A, %swap3A_244], %broadcast_in_dim3A_243 {strides = array<i32>} : memref<256x1xf32, #tpu.memory_space<vmem>>, vector<256x1xf32>,
    %iota3A_246 = tpu.iota {dimensions = array<i32: 0>} : vector<256x16xi32>
    %iota3A_247 = tpu.iota {dimensions = array<i32: 1>} : vector<256x16xi32>
    %jit3A_248 = arith.constant 16 : i32
    %div3A_249 = vector.broadcast %jit3A_248 : i32 to vector<256x16xi32>
    %div3A_250 = arith.divsi %iota3A_246, %div3A_249 : vector<256x16xi32>
    %sign3A_251 = arith.constant 0 : i32
    %sign3A_252 = vector.broadcast %sign3A_251 : i32 to vector<256x16xi32>
    %sign3A_253 = arith.cmpi sgt, %iota3A_246, %sign3A_252 : vector<256x16xi32>
    %sign3A_254 = arith.extui %sign3A_253 : vector<256x16xi1> to vector<256x16xi32>
    %sign3A_255 = arith.constant 0 : i32
    %sign3A_256 = vector.broadcast %sign3A_255 : i32 to vector<256x16xi32>
    %sign3A_257 = arith.cmpi slt, %iota3A_246, %sign3A_256 : vector<256x16xi32>
    %sign3A_258 = arith.extui %sign3A_257 : vector<256x16xi1> to vector<256x16xi32>
    %sign3A_259 = arith.subi %sign3A_254, %sign3A_258 : vector<256x16xi32>
    %sign3A_260 = arith.constant 0 : i32
    %sign3A_261 = arith.cmpi sgt, %jit3A_248, %sign3A_260 : i32
    %sign3A_262 = arith.extui %sign3A_261 : i1 to i32
    %sign3A_263 = arith.constant 0 : i32
    %sign3A_264 = arith.cmpi slt, %jit3A_248, %sign3A_263 : i32
    %sign3A_265 = arith.extui %sign3A_264 : i1 to i32
    %sign3A_266 = arith.subi %sign3A_262, %sign3A_265 : i32
    %ne3A_267 = vector.broadcast %sign3A_266 : i32 to vector<256x16xi32>
    %ne3A_268 = arith.cmpi ne, %sign3A_259, %ne3A_267 : vector<256x16xi32>
    %rem3A_269 = vector.broadcast %jit3A_248 : i32 to vector<256x16xi32>
    %rem3A_270 = arith.remsi %iota3A_246, %rem3A_269 : vector<256x16xi32>
    %ne3A_271 = arith.constant 0 : i32
    %ne3A_272 = vector.broadcast %ne3A_271 : i32 to vector<256x16xi32>
    %ne3A_273 = arith.cmpi ne, %rem3A_270, %ne3A_272 : vector<256x16xi32>
    %and3A_274 = arith.andi %ne3A_268, %ne3A_273 : vector<256x16xi1>
    %sub3A_275 = arith.constant 1 : i32
    %sub3A_276 = vector.broadcast %sub3A_275 : i32 to vector<256x16xi32>
    %sub3A_277 = arith.subi %div3A_250, %sub3A_276 : vector<256x16xi32>
    %select_n3A_278 = arith.select %and3A_274, %sub3A_277, %div3A_250 : vector<256x16xi1>, vector<256x16xi32>
    %eq3A_279 = arith.cmpi eq, %select_n3A_278, %iota3A_247 : vector<256x16xi32>
    %convert_element_type3A_280 = arith.extui %eq3A_279 : vector<256x16xi1> to vector<256x16xi32>
    %convert_element_type3A_281 = arith.sitofp %convert_element_type3A_280 : vector<256x16xi32> to vector<256x16xf32>
    %jit3A_282 = arith.constant 16 : i32
    %eq3A_283 = arith.constant 0 : i32
    %eq3A_284 = arith.cmpi eq, %jit3A_282, %eq3A_283 : i32
    %jit3A_285 = arith.constant 1 : i32
    %select_n3A_286 = arith.select %eq3A_284, %jit3A_285, %jit3A_282 : i32
    %rem3A_287 = vector.broadcast %select_n3A_286 : i32 to vector<256x16xi32>
    %rem3A_288 = arith.remsi %iota3A_246, %rem3A_287 : vector<256x16xi32>
    %ne3A_289 = arith.constant 0 : i32
    %ne3A_290 = vector.broadcast %ne3A_289 : i32 to vector<256x16xi32>
    %ne3A_291 = arith.cmpi ne, %rem3A_288, %ne3A_290 : vector<256x16xi32>
    %lt3A_292 = arith.constant 0 : i32
    %lt3A_293 = vector.broadcast %lt3A_292 : i32 to vector<256x16xi32>
    %lt3A_294 = arith.cmpi slt, %rem3A_288, %lt3A_293 : vector<256x16xi32>
    %lt3A_295 = arith.constant 0 : i32
    %lt3A_296 = arith.cmpi slt, %select_n3A_286, %lt3A_295 : i32
    %ne3A_297 = vector.broadcast %lt3A_296 : i1 to vector<256x16xi1>
    %ne3A_298 = vector.broadcast %ne3A_297 : vector<256x16xi1> to vector<256x16xi1>
    %ne3A_299 = arith.xori %lt3A_294, %ne3A_298 : vector<256x16xi1>
    %and3A_300 = arith.andi %ne3A_299, %ne3A_291 : vector<256x16xi1>
    %add3A_301 = vector.broadcast %select_n3A_286 : i32 to vector<256x16xi32>
    %add3A_302 = arith.addi %rem3A_288, %add3A_301 : vector<256x16xi32>
    %select_n3A_303 = arith.select %and3A_300, %add3A_302, %rem3A_288 : vector<256x16xi1>, vector<256x16xi32>
    %eq3A_304 = arith.cmpi eq, %select_n3A_303, %iota3A_247 : vector<256x16xi32>
    %convert_element_type3A_305 = arith.extui %eq3A_304 : vector<256x16xi1> to vector<256x16xi32>
    %convert_element_type3A_306 = arith.sitofp %convert_element_type3A_305 : vector<256x16xi32> to vector<256x16xf32>
    %dot_general3A_307 = arith.constant dense<0.000000e+00> : vector<256x16xf32>
    %dot_general3A_308 = tpu.matmul %convert_element_type3A_281, %add3A_186, %dot_general3A_307 {dimension_numbers = #tpu.dot_dimension_numbers<[1], [0], [0], [1], [0, 0, 1, 1], [], []>, transpose_lhs_hint = false} : vector<256x16xf32>, vector<16x16xf32>, vector<256x16xf32> -> vector<256x16xf32>
    %mul3A_309 = arith.mulf %dot_general3A_308, %convert_element_type3A_306 : vector<256x16xf32>
    %reduce_sum3A_310 = arith.constant dense<0.000000e+00> : vector<256xf32>
    %reduce_sum3A_311 = vector.multi_reduction <add>, %mul3A_309, %reduce_sum3A_310 [1] : vector<256x16xf32> to vector<256xf32>
    %broadcast_in_dim3A_312 = vector.shape_cast %reduce_sum3A_311 : vector<256xf32> to vector<256x1xf32>
    %swap3A_313 = arith.constant 0 : index
    %swap3A_314 = arith.constant 0 : index
    %swap3A_315 = vector.load %arg4[%swap3A_313, %swap3A_314] : memref<256x1xf32, #tpu.memory_space<vmem>>, vector<256x1xf32>
    tpu.vector_store %arg4[%swap3A_313, %swap3A_314], %broadcast_in_dim3A_312 {strides = array<i32>} : memref<256x1xf32, #tpu.memory_space<vmem>>, vector<256x1xf32>,
    return
  }
  func.func @transform_0(%arg0: i32) -> i32 {
    %c0_i32 = arith.constant 0 : i32
    %c0_i32_0 = arith.constant 0 : i32
    return %c0_i32 : i32
  }
  func.func @transform_1(%arg0: i32) -> i32 {
    %c0_i32 = arith.constant 0 : i32
    %c0_i32_0 = arith.constant 0 : i32
    return %c0_i32 : i32
  }
  func.func @transform_2(%arg0: i32) -> (i32, i32) {
    %c0_i32 = arith.constant 0 : i32
    %c0_i32_0 = arith.constant 0 : i32
    %c0_i32_1 = arith.constant 0 : i32
    return %c0_i32, %c0_i32_0 : i32, i32
  }
  func.func @transform_3(%arg0: i32) -> (i32, i32) {
    %c0_i32 = arith.constant 0 : i32
    %c0_i32_0 = arith.constant 0 : i32
    %c0_i32_1 = arith.constant 0 : i32
    return %c0_i32, %c0_i32_0 : i32, i32
  }
}

module attributes {stable_mosaic.version = 14 : i64} {
  func.func @_tc_tail_segsum(%arg0: i32, %arg1: memref<1x1x4000xi32, #tpu.memory_space<vmem>>, %arg2: memref<1x1x4000xi32, #tpu.memory_space<vmem>>, %arg3: memref<4000x128xf32, #tpu.memory_space<vmem>>, %arg4: memref<4000x128xf32, #tpu.memory_space<vmem>>, %arg5: memref<256x128xf32, #tpu.memory_space<vmem>>, %arg6: memref<256x128xf32, #tpu.memory_space<vmem>>, %arg7: memref<256x128xf32, #tpu.memory_space<vmem>>, %arg8: memref<256x128xf32, #tpu.memory_space<vmem>>) attributes {dimension_semantics = [#tpu.dimension_semantics<arbitrary>], iteration_bounds = array<i64: 11>, scalar_prefetch = 0 : i64, scratch_operands = 2 : i64, tpu.core_type = #tpu.core_type<tc>, window_params = [{transform_indices = @transform_0, window_bounds = array<i64: 1, 1, 4000>}, {transform_indices = @transform_1, window_bounds = array<i64: 1, 1, 4000>}, {transform_indices = @transform_2, window_bounds = array<i64: 4000, 128>}, {transform_indices = @transform_3, window_bounds = array<i64: 4000, 128>}, {pipeline_mode = #tpu.pipeline_mode<synchronous>, transform_indices = @transform_4, window_bounds = array<i64: 256, 128>}, {pipeline_mode = #tpu.pipeline_mode<synchronous>, transform_indices = @transform_5, window_bounds = array<i64: 256, 128>}]} {
    %eq3A = arith.constant 0 : i32
    %eq3A_0 = arith.cmpi eq, %arg0, %eq3A : i32
    %convert_element_type3A = arith.extui %eq3A_0 : i1 to i32
    %cond3A = arith.constant 0 : i32
    %cond3A_1 = arith.cmpi ne, %convert_element_type3A, %cond3A : i32
    scf.if %cond3A_1 {
      %broadcast_in_dim3A = arith.constant 0.000000e+00 : f32
      %broadcast_in_dim3A_45 = vector.broadcast %broadcast_in_dim3A : f32 to vector<256x128xf32>
      %swap3A_46 = arith.constant 0 : index
      %swap3A_47 = arith.constant 0 : index
      %swap3A_48 = vector.load %arg7[%swap3A_46, %swap3A_47] : memref<256x128xf32, #tpu.memory_space<vmem>>, vector<256x128xf32>
      tpu.vector_store %arg7[%swap3A_46, %swap3A_47], %broadcast_in_dim3A_45 {strides = array<i32>} : memref<256x128xf32, #tpu.memory_space<vmem>>, vector<256x128xf32>,
      %broadcast_in_dim3A_49 = arith.constant 0.000000e+00 : f32
      %broadcast_in_dim3A_50 = vector.broadcast %broadcast_in_dim3A_49 : f32 to vector<256x128xf32>
      %swap3A_51 = arith.constant 0 : index
      %swap3A_52 = arith.constant 0 : index
      %swap3A_53 = vector.load %arg8[%swap3A_51, %swap3A_52] : memref<256x128xf32, #tpu.memory_space<vmem>>, vector<256x128xf32>
      tpu.vector_store %arg8[%swap3A_51, %swap3A_52], %broadcast_in_dim3A_50 {strides = array<i32>} : memref<256x128xf32, #tpu.memory_space<vmem>>, vector<256x128xf32>,
    } else {
    }
    %iota3A = tpu.iota {dimensions = array<i32: 0>} : vector<256x4000xi32>
    %get3A = arith.constant 0 : index
    %get3A_2 = arith.constant 0 : index
    %get3A_3 = arith.constant 0 : index
    %get3A_4 = vector.load %arg1[%get3A, %get3A_2, %get3A_3] : memref<1x1x4000xi32, #tpu.memory_space<vmem>>, vector<1x1x4000xi32>
    %get3A_5 = vector.shape_cast %get3A_4 : vector<1x1x4000xi32> to vector<1x4000xi32>
    %eq3A_6 = vector.broadcast %get3A_5 : vector<1x4000xi32> to vector<256x4000xi32>
    %eq3A_7 = arith.cmpi eq, %iota3A, %eq3A_6 : vector<256x4000xi32>
    %convert_element_type3A_8 = arith.extui %eq3A_7 : vector<256x4000xi1> to vector<256x4000xi32>
    %convert_element_type3A_9 = arith.sitofp %convert_element_type3A_8 : vector<256x4000xi32> to vector<256x4000xf32>
    %get3A_10 = arith.constant 0 : index
    %get3A_11 = arith.constant 0 : index
    %get3A_12 = arith.constant 0 : index
    %get3A_13 = vector.load %arg2[%get3A_10, %get3A_11, %get3A_12] : memref<1x1x4000xi32, #tpu.memory_space<vmem>>, vector<1x1x4000xi32>
    %get3A_14 = vector.shape_cast %get3A_13 : vector<1x1x4000xi32> to vector<1x4000xi32>
    %eq3A_15 = vector.broadcast %get3A_14 : vector<1x4000xi32> to vector<256x4000xi32>
    %eq3A_16 = arith.cmpi eq, %iota3A, %eq3A_15 : vector<256x4000xi32>
    %convert_element_type3A_17 = arith.extui %eq3A_16 : vector<256x4000xi1> to vector<256x4000xi32>
    %convert_element_type3A_18 = arith.sitofp %convert_element_type3A_17 : vector<256x4000xi32> to vector<256x4000xf32>
    %get3A_19 = arith.constant 0 : index
    %get3A_20 = arith.constant 0 : index
    %get3A_21 = vector.load %arg7[%get3A_19, %get3A_20] : memref<256x128xf32, #tpu.memory_space<vmem>>, vector<256x128xf32>
    %get3A_22 = arith.constant 0 : index
    %get3A_23 = arith.constant 0 : index
    %get3A_24 = vector.load %arg3[%get3A_22, %get3A_23] : memref<4000x128xf32, #tpu.memory_space<vmem>>, vector<4000x128xf32>
    %dot_general3A = arith.constant dense<0.000000e+00> : vector<256x128xf32>
    %dot_general3A_25 = tpu.matmul %convert_element_type3A_9, %get3A_24, %dot_general3A {dimension_numbers = #tpu.dot_dimension_numbers<[1], [0], [0], [1], [0, 0, 1, 1], [], []>, transpose_lhs_hint = false} : vector<256x4000xf32>, vector<4000x128xf32>, vector<256x128xf32> -> vector<256x128xf32>
    %add3A = arith.addf %get3A_21, %dot_general3A_25 : vector<256x128xf32>
    %swap3A = arith.constant 0 : index
    %swap3A_26 = arith.constant 0 : index
    %swap3A_27 = vector.load %arg7[%swap3A, %swap3A_26] : memref<256x128xf32, #tpu.memory_space<vmem>>, vector<256x128xf32>
    tpu.vector_store %arg7[%swap3A, %swap3A_26], %add3A {strides = array<i32>} : memref<256x128xf32, #tpu.memory_space<vmem>>, vector<256x128xf32>,
    %get3A_28 = arith.constant 0 : index
    %get3A_29 = arith.constant 0 : index
    %get3A_30 = vector.load %arg8[%get3A_28, %get3A_29] : memref<256x128xf32, #tpu.memory_space<vmem>>, vector<256x128xf32>
    %get3A_31 = arith.constant 0 : index
    %get3A_32 = arith.constant 0 : index
    %get3A_33 = vector.load %arg4[%get3A_31, %get3A_32] : memref<4000x128xf32, #tpu.memory_space<vmem>>, vector<4000x128xf32>
    %dot_general3A_34 = arith.constant dense<0.000000e+00> : vector<256x128xf32>
    %dot_general3A_35 = tpu.matmul %convert_element_type3A_18, %get3A_33, %dot_general3A_34 {dimension_numbers = #tpu.dot_dimension_numbers<[1], [0], [0], [1], [0, 0, 1, 1], [], []>, transpose_lhs_hint = false} : vector<256x4000xf32>, vector<4000x128xf32>, vector<256x128xf32> -> vector<256x128xf32>
    %add3A_36 = arith.addf %get3A_30, %dot_general3A_35 : vector<256x128xf32>
    %swap3A_37 = arith.constant 0 : index
    %swap3A_38 = arith.constant 0 : index
    %swap3A_39 = vector.load %arg8[%swap3A_37, %swap3A_38] : memref<256x128xf32, #tpu.memory_space<vmem>>, vector<256x128xf32>
    tpu.vector_store %arg8[%swap3A_37, %swap3A_38], %add3A_36 {strides = array<i32>} : memref<256x128xf32, #tpu.memory_space<vmem>>, vector<256x128xf32>,
    %eq3A_40 = arith.constant 10 : i32
    %eq3A_41 = arith.cmpi eq, %arg0, %eq3A_40 : i32
    %convert_element_type3A_42 = arith.extui %eq3A_41 : i1 to i32
    %cond3A_43 = arith.constant 0 : i32
    %cond3A_44 = arith.cmpi ne, %convert_element_type3A_42, %cond3A_43 : i32
    scf.if %cond3A_44 {
      %get3A_45 = arith.constant 0 : index
      %get3A_46 = arith.constant 0 : index
      %get3A_47 = vector.load %arg7[%get3A_45, %get3A_46] : memref<256x128xf32, #tpu.memory_space<vmem>>, vector<256x128xf32>
      %swap3A_48 = arith.constant 0 : index
      %swap3A_49 = arith.constant 0 : index
      %swap3A_50 = vector.load %arg5[%swap3A_48, %swap3A_49] : memref<256x128xf32, #tpu.memory_space<vmem>>, vector<256x128xf32>
      tpu.vector_store %arg5[%swap3A_48, %swap3A_49], %get3A_47 {strides = array<i32>} : memref<256x128xf32, #tpu.memory_space<vmem>>, vector<256x128xf32>,
      %get3A_51 = arith.constant 0 : index
      %get3A_52 = arith.constant 0 : index
      %get3A_53 = vector.load %arg8[%get3A_51, %get3A_52] : memref<256x128xf32, #tpu.memory_space<vmem>>, vector<256x128xf32>
      %swap3A_54 = arith.constant 0 : index
      %swap3A_55 = arith.constant 0 : index
      %swap3A_56 = vector.load %arg6[%swap3A_54, %swap3A_55] : memref<256x128xf32, #tpu.memory_space<vmem>>, vector<256x128xf32>
      tpu.vector_store %arg6[%swap3A_54, %swap3A_55], %get3A_53 {strides = array<i32>} : memref<256x128xf32, #tpu.memory_space<vmem>>, vector<256x128xf32>,
    } else {
    }
    return
  }
  func.func @transform_0(%arg0: i32) -> (i32, i32, i32) {
    %add3A = arith.constant 14 : i32
    %add3A_0 = arith.addi %arg0, %add3A : i32
    %c0_i32 = arith.constant 0 : i32
    %c0_i32_1 = arith.constant 0 : i32
    %c0_i32_2 = arith.constant 0 : i32
    return %add3A_0, %c0_i32, %c0_i32_1 : i32, i32, i32
  }
  func.func @transform_1(%arg0: i32) -> (i32, i32, i32) {
    %add3A = arith.constant 14 : i32
    %add3A_0 = arith.addi %arg0, %add3A : i32
    %c0_i32 = arith.constant 0 : i32
    %c0_i32_1 = arith.constant 0 : i32
    %c0_i32_2 = arith.constant 0 : i32
    return %add3A_0, %c0_i32, %c0_i32_1 : i32, i32, i32
  }
  func.func @transform_2(%arg0: i32) -> (i32, i32) {
    %add3A = arith.constant 14 : i32
    %add3A_0 = arith.addi %arg0, %add3A : i32
    %c0_i32 = arith.constant 0 : i32
    %c0_i32_1 = arith.constant 0 : i32
    return %add3A_0, %c0_i32 : i32, i32
  }
  func.func @transform_3(%arg0: i32) -> (i32, i32) {
    %add3A = arith.constant 14 : i32
    %add3A_0 = arith.addi %arg0, %add3A : i32
    %c0_i32 = arith.constant 0 : i32
    %c0_i32_1 = arith.constant 0 : i32
    return %add3A_0, %c0_i32 : i32, i32
  }
  func.func @transform_4(%arg0: i32) -> (i32, i32) {
    %c0_i32 = arith.constant 0 : i32
    %c0_i32_0 = arith.constant 0 : i32
    %c0_i32_1 = arith.constant 0 : i32
    return %c0_i32, %c0_i32_0 : i32, i32
  }
  func.func @transform_5(%arg0: i32) -> (i32, i32) {
    %c0_i32 = arith.constant 0 : i32
    %c0_i32_0 = arith.constant 0 : i32
    %c0_i32_1 = arith.constant 0 : i32
    return %c0_i32, %c0_i32_0 : i32, i32
  }
}

</mosaic_0001>

<sc_bundles>
// kernel: kernel.6.cloned.1.call-start
scs
__scs_entry_jumppad:
0x0: {  	(pc) =	sbr.rel $0x88, $3  }
0x1: {  	(tag) =	ssettag $0x0;
	lr =	simm.s32 $0x1  }
0x2: {  	[smem:$0x3F9B] =	sst lr;
	_ =	strace $0xD0000000  }
0x3: {  	_ = 	snop  }
0x4: {  	_ = 	snop  }
0x5: {  	_ = 	snop  }
0x6: {  	_ = 	snop  }
0x7: {  	_ = 	snop  }
__scs_overlays_trampoline_lowered:
0x8: {  	[smem:$0x3FAA] =	sst s0  }
0x9: {  	[smem:$0x3FAB] =	sst s1  }
0xa: {  	[smem:$0x3FAC] =	sst s2  }
0xb: {  	[smem:$0x3FAD] =	sst s3  }
0xc: {  	[smem:$0x3FAE] =	sst s4  }
0xd: {  	[smem:$0x3FAF] =	sst s5  }
0xe: {  	[smem:$0x3FB0] =	sst s6  }
0xf: {  	[smem:$0x3FB1] =	sst s7  }
0x10: {  	[smem:$0x3FB2] =	sst s8  }
0x11: {  	[smem:$0x3FB3] =	sst s9;
	s0 =	simm.s32 @!p0 $0x0  }
0x12: {  	s1 =	sld [smem:$0x3F99];
	s0 =	simm.s32 @p0 $0x1  }
0x13: {  	[smem:$0x3FB4] =	sst s0;
	s0 =	simm.s32 @!p1 $0x0  }
0x14: {  	s2 =	sld [smem:$0x3F98];
	s0 =	simm.s32 @p1 $0x1  }
0x15: {  	[smem:$0x3FB5] =	sst s0;
	s0 =	simm.s32 @!p2 $0x0  }
0x16: {  	s3 =	sld [smem:$0x3FDB];
	s0 =	simm.s32 @p2 $0x1  }
0x17: {  	s4 =	simm.s32 $0x1BF5;
	[smem:$0x3FB7] =	sst s0  }
0x18: {  	s0 =	sld [smem:$0x3F9A];
	_ =	swait.ge [sflag:s4], $0x0  }
0x19: {  	s7 =	sld [smem:$0x3F9B]  }
0x1a: {  	s8 =	sadd.s32 $0xFFFFE003, lr  }
0x1b: {  	s9 =	sadd.s32 $0xFFFFFEF7, lr;
	s5 =	simm.s32 $0xFFFFFFFF;
	p2 =	slt.u32 s8, $0xFFFFF086  }
0x1c: {  	p1 =	slt.u32 s9, $0xF7A;
	s5 =	simm.s32 @!p2 $0x0  }
0x1d: {  	s5 =	simm.s32 @p1 $0x1;
	p0 =	seq.s32 s7, s2  }
0x1e: {  	s7 =	smul.u32 @!p0 $0xF7A, s2;
	p2 =	seq.s32 @!p0 s5, $0x0  }
0x1f: {  	s9 =	smul.u32 $0xF7A, s1;
	s8 =	simm.s32 @!p0 $0x1BF5;
	p2 =	por !p2, p0  }
0x20: {  	[sflag:s8] =	ssyncset.s32 @!p0 $0xFFFFF086;
	s6 =	sadd.s32 @!p0 s3, s7;
	s7 =	simm.s32 @!p0 $0x108  }
0x21: {  	s3 =	sadd.s32 s3, s9;
	s6 =	sadd.s32 @!p0 $0x88, s6;
	s7 =	simm.s32 @p2 $0x1082  }
0x22: {  	[simem:s7], [sflag:s8] =	dma.local @!p0 [hbm:s6], $0xF7A  }
0x23: {  	s9 =	sor.u32 $0xD0000000, s2;
	s6 =	simm.s32 $0x108;
	_ =	swait.ge @!p0 [sflag:s8], $0x0  }
0x24: {  	s3 =	sadd.s32 $0x88, s3;
	s6 =	simm.s32 @!p1 $0x1082;
	[sflag:s4] =	ssyncset.s32 $0xFFFFF086  }
0x25: {  	[simem:s6], [sflag:s4] =	dma.local [hbm:s3], $0xF7A  }
0x26: {  	[smem:$0x3F9B] =	sst s1;
	(tag) =	ssettag s2;
	_ =	strace s9  }
0x27: {  	s1 =	sld [smem:$0x3FAB]  }
0x28: {  	s2 =	sld [smem:$0x3FAC]  }
0x29: {  	s4 =	sld [smem:$0x3FAE]  }
0x2a: {  	p0 =	seq.s32 s5, $0x0;
	s5 =	sld [smem:$0x3FAF]  }
0x2b: {  	s6 =	sld [smem:$0x3FB0]  }
0x2c: {  	s7 =	sld [smem:$0x3FB1]  }
0x2d: {  	s3 =	simm.s32 $0x108;
	s8 =	sld [smem:$0x3FB2]  }
0x2e: {  	s3 =	simm.s32 @!p0 $0x1082;
	s9 =	sld [smem:$0x3FB3]  }
0x2f: {  	lr =	sadd.s32 s0, s3;
	s0 =	sld [smem:$0x3FAA]  }
0x30: {  	s3 =	sld [smem:$0x3FAD]  }
0x31: {  	[smem:$0x3FB6] =	sst s10  }
0x32: {  	s10 =	sld [smem:$0x3FB4];
	_ =	sdelay $0x3  }
0x33: {  	p0 =	seq.s32 s10, $0x1;
	s10 =	sld [smem:$0x3FB6];
	_ =	sdelay $0x3  }
0x34: {  	[smem:$0x3FB6] =	sst s10  }
0x35: {  	s10 =	sld [smem:$0x3FB5];
	_ =	sdelay $0x3  }
0x36: {  	p1 =	seq.s32 s10, $0x1;
	s10 =	sld [smem:$0x3FB6];
	_ =	sdelay $0x3  }
0x37: {  	[smem:$0x3FB6] =	sst s10  }
0x38: {  	s10 =	sld [smem:$0x3FB7]  }
0x39: {  	_ = 	snop;
	(pc) =	sbr.ind lr, $3  }
0x3a: {  	_ = 	snop  }
0x3b: {  	_ = 	snop  }
0x3c: {  	p2 =	seq.s32 s10, $0x1;
	s10 =	sld [smem:$0x3FB6]  }
0x3d: {  	_ =	shalt  }
0x3e: {  	_ =	shalt  }
0x3f: {  	_ =	shalt  }
0x40: {  	_ =	shalt  }
0x41: {  	_ =	shalt  }
0x42: {  	_ =	shalt  }
0x43: {  	_ =	shalt  }
0x44: {  	_ =	shalt  }
0x45: {  	_ =	shalt  }
0x46: {  	_ =	shalt  }
0x47: {  	_ =	shalt  }
0x48: {  	_ =	shalt  }
0x49: {  	_ =	shalt  }
0x4a: {  	_ =	shalt  }
0x4b: {  	_ =	shalt  }
0x4c: {  	_ =	shalt  }
0x4d: {  	_ =	shalt  }
0x4e: {  	_ =	shalt  }
0x4f: {  	_ =	shalt  }
0x50: {  	_ =	shalt  }
0x51: {  	_ =	shalt  }
0x52: {  	_ =	shalt  }
0x53: {  	_ =	shalt  }
0x54: {  	_ =	shalt  }
0x55: {  	_ =	shalt  }
0x56: {  	_ =	shalt  }
0x57: {  	_ =	shalt  }
0x58: {  	_ =	shalt  }
0x59: {  	_ =	shalt  }
0x5a: {  	_ =	shalt  }
0x5b: {  	_ =	shalt  }
0x5c: {  	_ =	shalt  }
0x5d: {  	_ =	shalt  }
0x5e: {  	_ =	shalt  }
0x5f: {  	_ =	shalt  }
0x60: {  	_ =	shalt  }
0x61: {  	_ =	shalt  }
0x62: {  	_ =	shalt  }
0x63: {  	_ =	shalt  }
0x64: {  	_ =	shalt  }
0x65: {  	_ =	shalt  }
0x66: {  	_ =	shalt  }
0x67: {  	_ =	shalt  }
0x68: {  	_ =	shalt  }
0x69: {  	_ =	shalt  }
0x6a: {  	_ =	shalt  }
0x6b: {  	_ =	shalt  }
0x6c: {  	_ =	shalt  }
0x6d: {  	_ =	shalt  }
0x6e: {  	_ =	shalt  }
0x6f: {  	_ =	shalt  }
0x70: {  	_ =	shalt  }
0x71: {  	_ =	shalt  }
0x72: {  	_ =	shalt  }
0x73: {  	_ =	shalt  }
0x74: {  	_ =	shalt  }
0x75: {  	_ =	shalt  }
0x76: {  	_ =	shalt  }
0x77: {  	_ =	shalt  }
0x78: {  	_ =	shalt  }
0x79: {  	_ =	shalt  }
0x7a: {  	_ =	shalt  }
0x7b: {  	_ =	shalt  }
0x7c: {  	_ =	shalt  }
0x7d: {  	_ =	shalt  }
0x7e: {  	_ =	shalt  }
0x7f: {  	_ =	shalt  }
0x80: {  	_ =	shalt  }
0x81: {  	_ =	shalt  }
0x82: {  	_ =	shalt  }
0x83: {  	_ =	shalt  }
0x84: {  	_ =	shalt  }
0x85: {  	_ =	shalt  }
0x86: {  	_ =	shalt  }
0x87: {  	_ =	shalt  }
.Lfunc_end0:
.L_simem_size_0:
called_computation_lowered:
.L_overlay_start_0:
0x88: {  	s2 =	sld [smem:$0x3FD9]  }
0x89: {  	s3 =	sld [smem:$0x3FFE];
	_ =	sdelay $0x1  }
0x8a: {  	s1 =	srdreg.scid  }
0x8b: {  	s0 =	sand.u32 $0x1, s1  }
0x8c: {  	s17 =	sshll.u32 s0, $0xA;
	s2 =	sadd.s32 s3, s2  }
0x8d: {  	s2 =	sadd.s32 s2, s17  }
0x8e: {  	[smem:$0x3FC2] =	sst s2  }
0x8f: {  	_ = 	snop  }
0x90: {  	s2 =	sld [smem:$0x3FC9]  }
0x91: {  	s18 =	sld [smem:$0x3FC8]  }
0x92: {  	s4 =	sld [smem:$0x3FC7]  }
0x93: {  	s5 =	sld [smem:$0x3FC6];
	(tm) =	ssettm $0x1  }
0x94: {  	s6 =	sld [smem:$0x3FFB];
	_ =	sdelay $0x3  }
0x95: {  	_ =	strace s6  }
0x96: {  	s6 =	sld [smem:$0x3FFC];
	_ =	sdelay $0x3  }
0x97: {  	_ =	strace s6  }
0x98: {  	s6 =	sld [smem:$0x3FFD];
	_ =	sdelay $0x3  }
0x99: {  	_ =	strace s6  }
0x9a: {  	_ =	strace $0x8FFFFFFF  }
0x9b: {  	s19 =	sld [smem:$0x3FDB];
	_ =	sdelay $0x1  }
0x9c: {  	s7 =	simm.s32 $_scs_section_size  }
0x9d: {  	s8 =	simm.s32 $_size__tile_overlayer_lowered;
	s9 =	simm.s32 $_tile_overlayer_lowered  }
0x9e: {  	s22 =	simm.s32 $0x1BFF;
	s21 =	sshll.u32 s9, $0x1;
	s6 =	sadd.s32 s7, s19  }
0x9f: {  	s10 =	simm.s32 $0x0;
	s20 =	sshll.u32 s8, $0x1;
	s8 =	sadd.s32 s21, s6  }
0xa0: {  	[timem:s10], [sflag:s22] =	dma.local [hbm:s8], s20  }
0xa1: {  	_ =	swait.ge [sflag:s22], s20  }
0xa2: {  	s7 =	ssub.s32 $0x0, s20;
	[sflag:s22] =	ssyncset.done $0x0  }
0xa3: {  	[sflag:s22] =	ssyncadd.s32 s7;
	_ =	sdelay $0x1  }
0xa4: {  	s23 =	simm.s32 $0x1B8B  }
0xa5: {  	_ =	swait.ge [sflag:s23], $0x1  }
0xa6: {  	[sflag:s23] =	ssyncset.done $0x0  }
0xa7: {  	s25 =	simm.s32 $0x1B8E;
	s24 =	sld [smem:$0x3FFE];
	[sflag:s23] =	ssyncadd.s32 $0xFFFFFFFF  }
0xa8: {  	s26 =	simm.s32 $execute0_lowered;
	[smem:$0x3FD2] =	sst s25  }
0xa9: {  	s8 =	sshll.u32 s26, $0x1;
	_ =	strace $0x80000046;
	[dreg:$0x1] =	wrdreg $0xFFFFFFFF  }
0xaa: {  	s28 =	simm.s32 $_size_execute0_lowered;
	s6 =	sadd.s32 s6, s8;
	[dreg:$0x0] =	wrdreg $0x0  }
0xab: {  	s8 =	sshll.u32 s28, $0x1;
	[dreg:$0x2] =	wrdreg s6  }
0xac: {  	[dreg:$0x3] =	wrdreg s8  }
0xad: {  	[dreg:$0x4] =	wrdreg $0xC0  }
0xae: {  	_ =	task [dreg:s10], $0x5FFFF  }
0xaf: {  	[dreg:$0x1] =	wrdreg $0xFFFFFFFF  }
0xb0: {  	[dreg:$0x0] =	wrdreg $0x60  }
0xb1: {  	[dreg:$0x2] =	wrdreg s2  }
0xb2: {  	[dreg:$0x3] =	wrdreg s18  }
0xb3: {  	[dreg:$0x4] =	wrdreg s4  }
0xb4: {  	[dreg:$0x5] =	wrdreg s5  }
0xb5: {  	[dreg:$0x6] =	wrdreg s24  }
0xb6: {  	[dreg:$0x7] =	wrdreg $0xE2000  }
0xb7: {  	[dreg:$0x8] =	wrdreg $0xEA000  }
0xb8: {  	[dreg:$0x9] =	wrdreg $0x9  }
0xb9: {  	_ =	task.clear_ibuf [dreg:s10], $0xAFFFF;
	_ =	strace $0x90000046  }
0xba: {  	s29 =	simm.s32 $0x9;
	_ =	strace $0x80000048  }
0xbb: {  	_ =	swait.ge [sflag:s29], $0x1  }
0xbc: {  	[sflag:s29] =	ssyncadd.s32 $0xFFFFFFFF  }
0xbd: {  	_ =	strace $0x90000048  }
0xbe: {  	_ =	sfence  }
0xbf: {  	s30 =	sld [smem:$0x0];
	_ =	sdelay $0x2  }
0xc0: {  	s31 =	sshll.u32 s1, $0xD;
	s1 =	sshrl.u32 s1, $0x2  }
0xc1: {  	s3 =	sand.u32 $0x4000, s31;
	s1 =	sadd.s32 s1, s30  }
0xc2: {  	s0 =	sor.u32 s3, s0;
	s1 =	sshll.u32 s1, $0x11  }
0xc3: {  	s0 =	sor.u32 s1, s0  }
0xc4: {  	s0 =	sadd.s32 $0x8F2B, s0  }
0xc5: {  	[sflag:s0] =	ssyncadd.remote.s32 $0x1  }
0xc6: {  	_ =	sfence.sel $0xFFFF  }
0xc7: {  	[dreg:$0x0] =	wrdreg $0xFFFFFFFF;
	(pc) =	sbr.abs _section_cstart, $3  }
0xc8: {  	[dreg:$0x1] =	wrdreg $0xFFFFFFFF  }
0xc9: {  	_ =	task.clear_ibuf [dreg:s10], $0x2FFFF;
	_ =	strace $0x9FFFFFFF  }
0xca: {  	(tm) =	ssettm $0x7FFFFFFF  }
0xcb: {  	_ =	shalt  }
tec
execute0_lowered:
.L_overlay_start_1:
0x0: {  	(tag) =	ssettag $0x1  }
0x1: {  	s0 =	rddreg [dreg:$0x0]  }
0x2: {  	s6 =	rddreg [dreg:$0x1]  }
0x3: {  	s7 =	rddreg [dreg:$0x2]  }
0x4: {  	s8 =	rddreg [dreg:$0x3]  }
0x5: {  	s5 =	rddreg [dreg:$0x4]  }
0x6: {  	s1 =	rddreg [dreg:$0x5]  }
0x7: {  	s2 =	rddreg [dreg:$0x6];
	s4 =	srdreg.scid;
	s3 =	simm.s32 $0x0  }
0x8: {  	s10 =	stileid.u32;
	s9 =	sand.u32 $0x1, s4;
	[smem:$0x7FF] =	sst s3  }
0x9: {  	s19 =	sadd.s32 $0x1600, s5;
	s31 =	smul.u32 $0xE, s10;
	s11 =	sshll.u32 s9, $0x4  }
0xa: {  	_ =	strace $0x80000047;
	s12 =	sshll.u32 s9, $0xC;
	s28 =	smul.u32 $0xE0, s9  }
0xb: {  	s13 =	ssub.s32 $0x2, s9;
	s9 =	smul.u32 $0x7000, s9;
	s11 =	sor.u32 s10, s11  }
0xc: {  	[dreg:$0x9] =	wrdreg s19;
	s12 =	sadd.s32 s12, s5;
	s14 =	smul.u32 $0x700, s11  }
0xd: {  	s20 =	sshrl.u32 s13, $0x1;
	s5 =	simm.s32 $0x10;
	s15 =	smul.u32 $0xE, s11  }
0xe: {  	s13 =	ssub.s32 s13, s20;
	p0 =	slt.u32 s11, $0x14;
	s26 =	sadd.s32 $0x2600, s12  }
0xf: {  	s29 =	sadd.s32 $0x4600, s12;
	s18 =	sadd.s32 s9, s0;
	[dreg:$0xe] =	wrdreg s26  }
0x10: {  	s19 =	sadd.s32 s9, s6;
	[dreg:$0xf] =	wrdreg s29;
	s30 =	smax.u32 s13, $0x1  }
0x11: {  	s5 =	simm.s32 @!p0 $0xF;
	s21 =	sadd.s32 s0, s14;
	[dreg:$0x10] =	wrdreg s30  }
0x12: {  	p0 =	sne.s32 s10, $0x0;
	s22 =	sadd.s32 s7, s15;
	[dreg:$0xa] =	wrdreg s21  }
0x13: {  	s23 =	sadd.s32 s6, s14;
	s24 =	sadd.s32 s8, s15;
	[dreg:$0xb] =	wrdreg s22  }
0x14: {  	s25 =	sadd.s32 $0xFFFFFFFF, s5;
	s7 =	sadd.s32 s28, s7;
	[dreg:$0xc] =	wrdreg s23  }
0x15: {  	s8 =	sadd.s32 s28, s8;
	s15 =	smul.u32 $0x700, s10;
	[dreg:$0xd] =	wrdreg s24  }
0x16: {  	[dreg:$0x8] =	wrdreg s25;
	s13 =	sadd.s32 s31, s7;
	s14 =	sadd.s32 s31, s8  }
0x17: {  	s21 =	simm.s32 $0x3;
	s22 =	simm.s32 $0x4;
	s23 =	simm.s32 $0x0  }
.LBB2_1:
0x18: {  	s0 =	simm.s32 $0x0;
	s3 =	rddreg [dreg:$0xa]  }
0x19: {  	[tilespmem:s0], [sflag:$0x1] =	stream.linear.gather [hbm4b:s3+s0], $0x3800, $0x38;
	[tilespmem:$0xF200] =	vst v63  }
0x1a: {  	s17 =	rddreg [dreg:$0xb];
	s4 =	simm.s32 $0xE000  }
0x1b: {  	[tilespmem:s4], [sflag:$0x1] =	stream.linear.gather [hbm4b:s17+s0], $0x70, $0x38;
	[tilespmem:$0xF200] =	vst v63  }
0x1c: {  	s20 =	rddreg [dreg:$0xc];
	s24 =	simm.s32 $0x7000  }
0x1d: {  	[tilespmem:s24], [sflag:$0x1] =	stream.linear.gather [hbm4b:s20+s0], $0x3800, $0x38;
	[tilespmem:$0xF200] =	vst v63  }
0x1e: {  	s25 =	rddreg [dreg:$0xd];
	s26 =	simm.s32 $0xE100;
	s6 =	simm.s32 @!p0 $0x5  }
0x1f: {  	[tilespmem:s26], [sflag:$0x1] =	stream.linear.gather [hbm4b:s25+s0], $0x70, $0x38;
	[tilespmem:$0xF200] =	vst v63  }
0x20: {  	s3 =	rddreg [dreg:$0x9];
	s24 =	sshrl.u32 @!p0 s1, $0x3;
	s0 =	simm.s32 @!p0 $0x1C05  }
0x21: {  	[spmem:s24], [sflag:s0] =	dma.local @!p0 [hbm:s3], $0x1000  }
0x22: {  	_ =	swait.ge @!p0 [sflag:s6], $0x1000  }
0x23: {  	[sflag:s6] =	ssyncset.done @!p0 $0x0  }
0x24: {  	s25 =	sshrl.u32 @!p0 s2, $0x3;
	[sflag:s6] =	ssyncadd.s32 @!p0 $0xFFFFF000  }
0x25: {  	[spmem:s25], [sflag:s0] =	dma.local @!p0 [hbm:s3], $0x1000  }
0x26: {  	_ =	swait.ge @!p0 [sflag:s6], $0x1000  }
0x27: {  	[sflag:s6] =	ssyncset.done @!p0 $0x0  }
0x28: {  	p1 =	sle.u32 s5, $0x0;
	[sflag:s6] =	ssyncadd.s32 @!p0 $0xFFFFF000  }
0x29: {  	s0 =	simm.s32 @!p1 $0x1;
	[bflag:$0x0] =	sbarrier.arrive $0xFFFF  }
0x2a: {  	_ =	swait.ge @!p1 [sflag:s0], $0x3800  }
0x2b: {  	[sflag:s0] =	ssyncset.done @!p1 $0x0  }
0x2c: {  	s30 =	simm.s32 $0x380;
	[sflag:s0] =	ssyncadd.s32 @!p1 $0xFFFFC800  }
0x2d: {  	s16 =	smov.u32 s18;
	s31 =	smov.u32 s18;
	_ =	swait.ge @!p1 [sflag:s0], $0x70  }
0x2e: {  	s28 =	simm.s32 $0x0;
	s29 =	smov.u32 s19;
	[sflag:s0] =	ssyncset.done @!p1 $0x0  }
0x2f: {  	s9 =	simm.s32 @!p1 $0xE100;
	p3 =	sle.u32 @!p1 s5, $0x1;
	[sflag:s0] =	ssyncadd.s32 @!p1 $0xFFFFFF90  }
0x30: {  	s10 =	simm.s32 @!p1 $0x7000;
	p2 =	por p3, p1;
	_ =	swait.ge @!p1 [sflag:s0], $0x3800  }
0x31: {  	s7 =	simm.s32 @!p1 $0x0;
	p4 =	por @!p2 $0x1, $0x1;
	[sflag:s0] =	ssyncset.done @!p1 $0x0  }
0x32: {  	s8 =	simm.s32 @!p1 $0xE000;
	p3 =	por @!p1 p4, p3;
	[sflag:s0] =	ssyncadd.s32 @!p1 $0xFFFFC800  }
0x33: {  	s17 =	smov.u32 s19;
	p4 =	por p3, p1;
	_ =	swait.ge @!p1 [sflag:s0], $0x70  }
0x34: {  	s20 =	simm.s32 $0x0;
	s11 =	simm.s32 @!p4 $0x4;
	[sflag:s0] =	ssyncset.done @!p1 $0x0  }
0x35: {  	s6 =	simm.s32 @!p1 $0x70;
	[sflag:s0] =	ssyncadd.s32 @!p1 $0xFFFFFF90;
	s0 =	sadd.s32 @!p2 s18, s15  }
0x36: {  	[spmem:s1] =	stream.indirect.scatter.add.f32 @!p1 [tilespmem:s7], [sflag:$0x3], $0x80, s8, s6, $0xb8;
	[tilespmem:$0xF200] =	vst v63  }
0x37: {  	s26 =	simm.s32 $0x2;
	s7 =	sadd.s32 @!p2 $0x0, s13;
	s8 =	sadd.s32 @!p2 $0xE000, s0  }
0x38: {  	[spmem:s2] =	stream.indirect.scatter.add.f32 @!p1 [tilespmem:s10], [sflag:$0x3], $0x80, s9, s6, $0xb8;
	[tilespmem:$0xF200] =	vst v63  }
0x39: {  	s0 =	sadd.s32 @!p2 s19, s15;
	s7 =	sadd.s32 @!p2 $0x1C0, s7;
	_ =	swait.ge @!p4 [sflag:s11], $0x3800  }
0x3a: {  	s6 =	sadd.s32 @!p2 $0x0, s14;
	s10 =	sadd.s32 @!p2 $0xE000, s0;
	[sflag:s11] =	ssyncset.done @!p4 $0x0  }
0x3b: {  	s0 =	simm.s32 $0x4;
	s9 =	sadd.s32 @!p2 $0x1C0, s6;
	[sflag:s11] =	ssyncadd.s32 @!p4 $0xFFFFC800  }
.LBB2_2:
0x3c: {  	_ =	swait.ge @!p4 [sflag:s11], $0x3800  }
0x3d: {  	[sflag:s11] =	ssyncset.done @!p4 $0x0  }
0x3e: {  	s12 =	simm.s32 @!p2 $0x3800;
	[sflag:s11] =	ssyncadd.s32 @!p4 $0xFFFFC800;
	s11 =	simm.s32 @!p2 $0x0  }
0x3f: {  	[tilespmem:s12], [sflag:$0x2] =	stream.linear.gather @!p2 [hbm4b:s8+s11], $0x3800, $0x38;
	[tilespmem:$0xF200] =	vst v63  }
0x40: {  	s8 =	simm.s32 @!p2 $0xE080  }
0x41: {  	[tilespmem:s8], [sflag:$0x2] =	stream.linear.gather @!p2 [hbm4b:s7+s11], $0x70, $0x38;
	[tilespmem:$0xF200] =	vst v63  }
0x42: {  	s4 =	rddreg [dreg:$0x8];
	s7 =	simm.s32 @!p2 $0xA800  }
0x43: {  	[tilespmem:s7], [sflag:$0x2] =	stream.linear.gather @!p2 [hbm4b:s10+s11], $0x3800, $0x38;
	[tilespmem:$0xF200] =	vst v63  }
0x44: {  	p3 =	sge.u32 s20, s4;
	s7 =	simm.s32 @!p2 $0xE180  }
0x45: {  	[tilespmem:s7], [sflag:$0x2] =	stream.linear.gather @!p2 [hbm4b:s9+s11], $0x70, $0x38;
	[tilespmem:$0xF200] =	vst v63  }
0x46: {  	s7 =	simm.s32 @!p3 $0x2  }
0x47: {  	_ =	swait.ge @!p3 [sflag:s7], $0x3800  }
0x48: {  	[sflag:s7] =	ssyncset.done @!p3 $0x0  }
0x49: {  	[sflag:s7] =	ssyncadd.s32 @!p3 $0xFFFFC800  }
0x4a: {  	_ =	swait.ge @!p3 [sflag:s7], $0x70  }
0x4b: {  	[sflag:s7] =	ssyncset.done @!p3 $0x0  }
0x4c: {  	[sflag:s7] =	ssyncadd.s32 @!p3 $0xFFFFFF90  }
0x4d: {  	_ =	swait.ge @!p3 [sflag:s7], $0x3800  }
0x4e: {  	[sflag:s7] =	ssyncset.done @!p3 $0x0  }
0x4f: {  	[sflag:s7] =	ssyncadd.s32 @!p3 $0xFFFFC800  }
0x50: {  	s8 =	simm.s32 @!p3 $0x3800;
	_ =	swait.ge @!p3 [sflag:s7], $0x70  }
0x51: {  	s10 =	simm.s32 @!p3 $0x70;
	p2 =	sge.u32 @!p3 s26, s5;
	[sflag:s7] =	ssyncset.done @!p3 $0x0  }
0x52: {  	s11 =	simm.s32 @!p3 $0xE080;
	p2 =	por p2, p3;
	[sflag:s7] =	ssyncadd.s32 @!p3 $0xFFFFFF90  }
0x53: {  	[spmem:s1] =	stream.indirect.scatter.add.f32 @!p3 [tilespmem:s8], [sflag:$0x4], $0x80, s11, s10, $0xb8;
	[tilespmem:$0xF200] =	vst v63  }
0x54: {  	s9 =	simm.s32 @!p3 $0xA800;
	s7 =	simm.s32 @!p3 $0xE180;
	s8 =	simm.s32 @!p2 $0x3  }
0x55: {  	[spmem:s2] =	stream.indirect.scatter.add.f32 @!p3 [tilespmem:s9], [sflag:$0x4], $0x80, s7, s10, $0xb8;
	[tilespmem:$0xF200] =	vst v63  }
0x56: {  	_ =	swait.ge @!p2 [sflag:s8], $0x3800  }
0x57: {  	s6 =	smov.u32 s30;
	[sflag:s8] =	ssyncset.done @!p2 $0x0  }
0x58: {  	s20 =	sadd.s32 $0xFFFFFFFE, s0;
	s11 =	sadd.s32 @!p2 s31, s15;
	[sflag:s8] =	ssyncadd.s32 @!p2 $0xFFFFC800  }
0x59: {  	s12 =	sadd.s32 @!p2 s28, s14;
	s7 =	sadd.s32 @!p2 $0x1C000, s11;
	_ =	swait.ge @!p2 [sflag:s8], $0x3800  }
0x5a: {  	s9 =	sadd.s32 @!p2 $0x380, s12;
	s10 =	sadd.s32 @!p2 s28, s13;
	[sflag:s8] =	ssyncset.done @!p2 $0x0  }
0x5b: {  	s28 =	smov.u32 s6;
	s6 =	simm.s32 @!p2 $0x0;
	[sflag:s8] =	ssyncadd.s32 @!p2 $0xFFFFC800  }
0x5c: {  	[tilespmem:s6], [sflag:$0x1] =	stream.linear.gather @!p2 [hbm4b:s7+s6], $0x3800, $0x38;
	[tilespmem:$0xF200] =	vst v63  }
0x5d: {  	s12 =	sadd.s32 @!p2 s29, s15;
	s10 =	sadd.s32 @!p2 $0x380, s10;
	s8 =	simm.s32 @!p2 $0xE000  }
0x5e: {  	[tilespmem:s8], [sflag:$0x1] =	stream.linear.gather @!p2 [hbm4b:s10+s6], $0x70, $0x38;
	[tilespmem:$0xF200] =	vst v63  }
0x5f: {  	p3 =	sge.u32 s20, s5;
	s7 =	sadd.s32 @!p2 $0x1C000, s12;
	s12 =	simm.s32 @!p2 $0x7000  }
0x60: {  	[tilespmem:s12], [sflag:$0x1] =	stream.linear.gather @!p2 [hbm4b:s7+s6], $0x3800, $0x38;
	[tilespmem:$0xF200] =	vst v63  }
0x61: {  	s8 =	simm.s32 @!p2 $0xE100;
	s7 =	simm.s32 @!p3 $0x1  }
0x62: {  	[tilespmem:s8], [sflag:$0x1] =	stream.linear.gather @!p2 [hbm4b:s9+s6], $0x70, $0x38;
	[tilespmem:$0xF200] =	vst v63  }
0x63: {  	_ =	swait.ge @!p3 [sflag:s7], $0x3800  }
0x64: {  	[sflag:s7] =	ssyncset.done @!p3 $0x0  }
0x65: {  	s16 =	sadd.s32 $0x1C000, s16;
	s30 =	sadd.s32 $0x380, s30;
	[sflag:s7] =	ssyncadd.s32 @!p3 $0xFFFFC800  }
0x66: {  	s17 =	sadd.s32 $0x1C000, s17;
	p1 =	sne.s32 s30, $0x1C00;
	_ =	swait.ge @!p3 [sflag:s7], $0x70  }
0x67: {  	s26 =	smov.u32 s0;
	s31 =	smov.u32 s16;
	[sflag:s7] =	ssyncset.done @!p3 $0x0  }
0x68: {  	s29 =	smov.u32 s17;
	s11 =	sadd.s32 @!p3 $0xFFFFFFFF, s0;
	[sflag:s7] =	ssyncadd.s32 @!p3 $0xFFFFFF90  }
0x69: {  	s3 =	simm.s32 @!p3 $0x7000;
	s0 =	sadd.s32 $0x2, s0;
	_ =	swait.ge @!p3 [sflag:s7], $0x3800  }
0x6a: {  	p4 =	sge.u32 @!p3 s11, s5;
	s10 =	simm.s32 @!p3 $0xE000;
	[sflag:s7] =	ssyncset.done @!p3 $0x0  }
0x6b: {  	s12 =	simm.s32 @!p3 $0xE100;
	p2 =	por p4, p3;
	[sflag:s7] =	ssyncadd.s32 @!p3 $0xFFFFC800  }
0x6c: {  	s6 =	simm.s32 @!p3 $0x70;
	p5 =	seq.s32 @!p2 s28, $0x0;
	_ =	swait.ge @!p3 [sflag:s7], $0x70  }
0x6d: {  	s9 =	simm.s32 @!p3 $0x0;
	p4 =	por @!p3 p5, p4;
	[sflag:s7] =	ssyncset.done @!p3 $0x0  }
0x6e: {  	s11 =	sadd.s32 @!p2 s28, s13;
	p4 =	por p4, p3;
	[sflag:s7] =	ssyncadd.s32 @!p3 $0xFFFFFF90  }
0x6f: {  	[spmem:s1] =	stream.indirect.scatter.add.f32 @!p3 [tilespmem:s9], [sflag:$0x3], $0x80, s10, s6, $0xb8;
	[tilespmem:$0xF200] =	vst v63  }
.Ltmp0:
0x70: {  	s7 =	sadd.s32 @!p2 $0x1C0, s11;
	s11 =	simm.s32 @!p4 $0x4;
	(pc) =	sbr.rel @p1 .LBB2_2-.Ltmp0, $4  }
0x71: {  	[spmem:s2] =	stream.indirect.scatter.add.f32 @!p3 [tilespmem:s3], [sflag:$0x3], $0x80, s12, s6, $0xb8;
	[tilespmem:$0xF200] =	vst v63  }
0x72: {  	s8 =	sadd.s32 @!p2 s16, s15;
	s4 =	sadd.s32 @!p2 s28, s14;
	_ =	swait.ge @!p4 [sflag:s11], $0x3800  }
0x73: {  	s8 =	sadd.s32 @!p2 $0xE000, s8;
	s9 =	sadd.s32 @!p2 s17, s15;
	[sflag:s11] =	ssyncset.done @!p4 $0x0  }
0x74: {  	s10 =	sadd.s32 @!p2 $0xE000, s9;
	s9 =	sadd.s32 @!p2 $0x1C0, s4;
	[sflag:s11] =	ssyncadd.s32 @!p4 $0xFFFFC800  }
0x75: {  	_ =	swait.ge @!p4 [sflag:s11], $0x3800  }
0x76: {  	[sflag:s11] =	ssyncset.done @!p4 $0x0  }
0x77: {  	s0 =	simm.s32 @!p2 $0x0;
	s3 =	simm.s32 @!p2 $0x3800;
	[sflag:s11] =	ssyncadd.s32 @!p4 $0xFFFFC800  }
0x78: {  	[tilespmem:s3], [sflag:$0x2] =	stream.linear.gather @!p2 [hbm4b:s8+s0], $0x3800, $0x38;
	[tilespmem:$0xF200] =	vst v63  }
0x79: {  	s3 =	simm.s32 @!p2 $0xE080  }
0x7a: {  	[tilespmem:s3], [sflag:$0x2] =	stream.linear.gather @!p2 [hbm4b:s7+s0], $0x70, $0x38;
	[tilespmem:$0xF200] =	vst v63  }
0x7b: {  	s4 =	rddreg [dreg:$0x8];
	s3 =	simm.s32 @!p2 $0xA800  }
0x7c: {  	[tilespmem:s3], [sflag:$0x2] =	stream.linear.gather @!p2 [hbm4b:s10+s0], $0x3800, $0x38;
	[tilespmem:$0xF200] =	vst v63  }
0x7d: {  	p3 =	sge.u32 s20, s4;
	s3 =	simm.s32 @!p2 $0xE180  }
0x7e: {  	[tilespmem:s3], [sflag:$0x2] =	stream.linear.gather @!p2 [hbm4b:s9+s0], $0x70, $0x38;
	[tilespmem:$0xF200] =	vst v63  }
0x7f: {  	s0 =	simm.s32 @!p3 $0x2  }
0x80: {  	_ =	swait.ge @!p3 [sflag:s0], $0x3800  }
0x81: {  	[sflag:s0] =	ssyncset.done @!p3 $0x0  }
0x82: {  	[sflag:s0] =	ssyncadd.s32 @!p3 $0xFFFFC800  }
0x83: {  	_ =	swait.ge @!p3 [sflag:s0], $0x70  }
0x84: {  	[sflag:s0] =	ssyncset.done @!p3 $0x0  }
0x85: {  	[sflag:s0] =	ssyncadd.s32 @!p3 $0xFFFFFF90  }
0x86: {  	_ =	swait.ge @!p3 [sflag:s0], $0x3800  }
0x87: {  	[sflag:s0] =	ssyncset.done @!p3 $0x0  }
0x88: {  	[sflag:s0] =	ssyncadd.s32 @!p3 $0xFFFFC800  }
0x89: {  	p1 =	sge.u32 @!p3 s26, s5;
	_ =	swait.ge @!p3 [sflag:s0], $0x70  }
0x8a: {  	s4 =	simm.s32 @!p3 $0x70;
	s6 =	simm.s32 @!p3 $0xE080;
	[sflag:s0] =	ssyncset.done @!p3 $0x0  }
0x8b: {  	p1 =	por p1, p3;
	s3 =	simm.s32 @!p3 $0x3800;
	[sflag:s0] =	ssyncadd.s32 @!p3 $0xFFFFFF90  }
0x8c: {  	[spmem:s1] =	stream.indirect.scatter.add.f32 @!p3 [tilespmem:s3], [sflag:$0x4], $0x80, s6, s4, $0xb8;
	[tilespmem:$0xF200] =	vst v63  }
0x8d: {  	s0 =	simm.s32 @!p3 $0xA800;
	s3 =	simm.s32 @!p3 $0xE180;
	s6 =	simm.s32 @!p1 $0x3  }
0x8e: {  	[spmem:s2] =	stream.indirect.scatter.add.f32 @!p3 [tilespmem:s0], [sflag:$0x4], $0x80, s3, s4, $0xb8;
	[tilespmem:$0xF200] =	vst v63  }
0x8f: {  	_ =	swait.ge @!p1 [sflag:s6], $0x3800  }
0x90: {  	[sflag:s6] =	ssyncset.done @!p1 $0x0  }
0x91: {  	[sflag:s6] =	ssyncadd.s32 @!p1 $0xFFFFC800  }
0x92: {  	_ =	swait.ge @!p1 [sflag:s6], $0x3800  }
0x93: {  	s0 =	sadd.s32 @!p1 s31, s15;
	s3 =	sadd.s32 @!p1 s28, s13;
	[sflag:s6] =	ssyncset.done @!p1 $0x0  }
0x94: {  	s4 =	simm.s32 @!p1 $0x0;
	s0 =	sadd.s32 @!p1 $0x1C000, s0;
	[sflag:s6] =	ssyncadd.s32 @!p1 $0xFFFFC800  }
0x95: {  	[tilespmem:s4], [sflag:$0x1] =	stream.linear.gather @!p1 [hbm4b:s0+s4], $0x3800, $0x38;
	[tilespmem:$0xF200] =	vst v63  }
0x96: {  	s6 =	sadd.s32 @!p1 s29, s15;
	s0 =	sadd.s32 @!p1 $0x380, s3;
	s3 =	simm.s32 @!p1 $0xE000  }
0x97: {  	[tilespmem:s3], [sflag:$0x1] =	stream.linear.gather @!p1 [hbm4b:s0+s4], $0x70, $0x38;
	[tilespmem:$0xF200] =	vst v63  }
0x98: {  	s0 =	sadd.s32 @!p1 s28, s14;
	s3 =	sadd.s32 @!p1 $0x1C000, s6;
	s6 =	simm.s32 @!p1 $0x7000  }
0x99: {  	[tilespmem:s6], [sflag:$0x1] =	stream.linear.gather @!p1 [hbm4b:s3+s4], $0x3800, $0x38;
	[tilespmem:$0xF200] =	vst v63  }
0x9a: {  	s0 =	sadd.s32 @!p1 $0x380, s0;
	s3 =	simm.s32 @!p1 $0xE100  }
0x9b: {  	[tilespmem:s3], [sflag:$0x1] =	stream.linear.gather @!p1 [hbm4b:s0+s4], $0x70, $0x38;
	[tilespmem:$0xF200] =	vst v63  }
0x9c: {  	_ =	swait.ge [sflag:s21], $0x3800  }
0x9d: {  	[sflag:s21] =	ssyncset.done $0x0  }
0x9e: {  	[sflag:s21] =	ssyncadd.s32 $0xFFFFC800  }
0x9f: {  	_ =	swait.ge [sflag:s21], $0x3800  }
0xa0: {  	[sflag:s21] =	ssyncset.done $0x0  }
0xa1: {  	[sflag:s21] =	ssyncadd.s32 $0xFFFFC800  }
0xa2: {  	_ =	swait.ge [sflag:s22], $0x3800  }
0xa3: {  	[sflag:s22] =	ssyncset.done $0x0  }
0xa4: {  	[sflag:s22] =	ssyncadd.s32 $0xFFFFC800  }
0xa5: {  	_ =	swait.ge [sflag:s22], $0x3800  }
0xa6: {  	[sflag:s22] =	ssyncset.done $0x0  }
0xa7: {  	[sflag:s22] =	ssyncadd.s32 $0xFFFFC800  }
0xa8: {  	[bflag:$0x0] =	sbarrier.arrive $0xFFFF  }
0xa9: {  	s0 =	simm.s32 @!p0 $0x1C05;
	s3 =	rddreg [dreg:$0xe]  }
0xaa: {  	[hbm:s3], [sflag:s0] =	dma.local @!p0 [spmem:s24], $0x1000  }
0xab: {  	s3 =	simm.s32 @!p0 $0x5  }
0xac: {  	_ =	swait.ge @!p0 [sflag:s3], $0x1000  }
0xad: {  	[sflag:s3] =	ssyncset.done @!p0 $0x0  }
0xae: {  	s4 =	rddreg [dreg:$0xf];
	[sflag:s3] =	ssyncadd.s32 @!p0 $0xFFFFF000  }
0xaf: {  	[hbm:s4], [sflag:s0] =	dma.local @!p0 [spmem:s25], $0x1000  }
0xb0: {  	_ =	swait.ge @!p0 [sflag:s3], $0x1000  }
0xb1: {  	s23 =	sadd.s32 $0x1, s23;
	s31 =	rddreg [dreg:$0x10]  }
0xb2: {  	p1 =	sne.s32 s23, s31  }
.Ltmp1:
0xb3: {  	_ = 	snop;
	(pc) =	sbr.rel @p1 .LBB2_1-.Ltmp1, $3  }
0xb4: {  	_ =	sdelay $0x1  }
0xb5: {  	[sflag:s3] =	ssyncset.done @!p0 $0x0  }
0xb6: {  	[sflag:s3] =	ssyncadd.s32 @!p0 $0xFFFFF000  }
0xb7: {  	_ =	sfence.sel $0x180000  }
0xb8: {  	[bflag:$0x0] =	sbarrier.arrive $0xFFFF  }
0xb9: {  	_ =	strace $0x90000047  }
0xba: {  	[bflag:$0x2] =	sbarrier.arrive $0xFFFF  }
0xbb: {  	s0 =	rddreg [dreg:$0x7]  }
0xbc: {  	s0 =	sadd.s32 @!p0 $0x100000, s0  }
0xbd: {  	[sflag:s0] =	ssyncadd.tile.s32 @!p0 $0x1;
	_ =	shalt  }
.Lfunc_end2:
_tile_overlayer_lowered:
.L_overlay_start_2:
0xbe: {  	(tag) =	ssettag $0x2  }
0xbf: {  	s0 =	rddreg [dreg:$0x0];
	s2 =	stileid.u32  }
0xc0: {  	s1 =	rddreg [dreg:$0x1];
	p0 =	sne.s32 s2, $0x0  }
0xc1: {  	s3 =	rddreg [dreg:$0x2];
	[bflag:$0x3] =	sbarrier.arrive $0xFFFF;
	s2 =	simm.s32 @!p0 $0x1C05  }
0xc2: {  	[timem:s3], [sflag:s2] =	dma.local @!p0 [hbm:s0], s1  }
0xc3: {  	s0 =	simm.s32 @!p0 $0x5  }
0xc4: {  	_ =	swait.ge @!p0 [sflag:s0], s1  }
0xc5: {  	s1 =	ssub.s32 @!p0 $0x0, s1;
	[sflag:s0] =	ssyncset.done @!p0 $0x0  }
0xc6: {  	[sflag:s0] =	ssyncadd.s32 @!p0 s1  }
0xc7: {  	[bflag:$0x3] =	sbarrier.arrive $0xFFFF  }
0xc8: {  	_ =	shalt  }

</sc_bundles>
